<compile_context>
chip_gen: v7x
topology: tpu7x:2x2x1
jax: 0.10.2.dev20260603
libtpu: 0.0.44.dev20260713+nightly
codegen_flags: <defaults>
</compile_context>

<pallas_src>
import functools

import jax
import jax.numpy as jnp
from jax import lax
from jax.experimental import pallas as pl
from jax.experimental.pallas import tpu as pltpu
from jax.experimental.pallas import tpu_sc as plsc

MASKID = 0
NBUF = 5
LOOKAHEAD = 3


@functools.lru_cache(maxsize=None)
def _build(bsz, seq, vocab, dim):
    info = plsc.get_sparse_core_info()
    nw = info.num_cores * info.num_subcores
    cols_w = bsz // nw
    assert cols_w * nw == bsz
    assert seq % NBUF == 0 and LOOKAHEAD < NBUF

    mesh = plsc.VectorSubcoreMesh(core_axis_name="c", subcore_axis_name="s")

    @functools.partial(
        pl.kernel,
        mesh=mesh,
        out_type=(
            jax.ShapeDtypeStruct((seq, bsz, dim), jnp.float32),
            jax.ShapeDtypeStruct((seq, bsz), jnp.int32),
        ),
        scratch_types=[
            pltpu.VMEM((seq, cols_w), jnp.int32),
            pltpu.VMEM((seq, cols_w), jnp.int32),
            [pltpu.VMEM((cols_w, dim), jnp.float32) for _ in range(NBUF)],
            [pltpu.SemaphoreType.DMA for _ in range(NBUF)],
            [pltpu.SemaphoreType.DMA for _ in range(NBUF)],
        ],
    )
    def emb(xt_hbm, table_hbm, out_hbm, mask_hbm,
            idx_v, mask_v, bufs, isems, osems):
        wid = lax.axis_index("s") * info.num_cores + lax.axis_index("c")
        col0 = wid * cols_w

        pltpu.sync_copy(xt_hbm.at[:, pl.ds(col0, cols_w)], idx_v)

        def gather(s, b):
            pltpu.async_copy(
                table_hbm.at[idx_v.at[s]], bufs[b], isems[b]
            )

        def drain_in(s, b):
            pltpu.make_async_copy(
                table_hbm.at[idx_v.at[s]], bufs[b], isems[b]
            ).wait()

        def copyout(s, b):
            pltpu.async_copy(
                bufs[b], out_hbm.at[s, pl.ds(col0, cols_w)], osems[b]
            )

        def drain_out(s, b):
            pltpu.make_async_copy(
                bufs[b], out_hbm.at[s, pl.ds(col0, cols_w)], osems[b]
            ).wait()

        for s in range(LOOKAHEAD):
            gather(s, s % NBUF)

        for b in range(NBUF):
            s = b
            drain_in(s, b)
            copyout(s, b)
            sg = s + LOOKAHEAD
            bg = sg % NBUF
            if sg >= NBUF:
                drain_out(sg - NBUF, bg)
            gather(sg, bg)

        def body(g, _):
            for b in range(NBUF):
                s = g * NBUF + b
                drain_in(s, b)
                copyout(s, b)
                sg = s + LOOKAHEAD
                bg = (b + LOOKAHEAD) % NBUF

                @pl.when(sg < seq)
                def _():
                    drain_out(sg - NBUF, bg)
                    gather(sg, bg)

            return 0

        lax.fori_loop(1, seq // NBUF, body, 0)

        def mask_body(i, _):
            for j in range(cols_w // 16):
                v = idx_v[i, pl.ds(j * 16, 16)]
                mask_v[i, pl.ds(j * 16, 16)] = jnp.where(
                    v != MASKID, 1, 0
                ).astype(jnp.int32)
            return 0

        lax.fori_loop(0, seq, mask_body, 0)
        pltpu.sync_copy(mask_v, mask_hbm.at[:, pl.ds(col0, cols_w)])

        for b in range(NBUF):
            drain_out(seq - NBUF + b, b)

    return emb


def kernel(x, table):
    bsz, seq = x.shape
    vocab, dim = table.shape
    xt = x.astype(jnp.int32).T
    out_t, mask_t = _build(bsz, seq, vocab, dim)(xt, table)
    return out_t.transpose(1, 0, 2), mask_t.T

# --- scband reference (transcript-rebuilt; emitter-appended) ---
"""Pipeline reference for scband-word-emb-1537598292156 (READ-ONLY COPY).

The authoritative reference and input builder live on the scoring server;
editing this copy changes nothing except your own understanding.
"""

import jax, jax.numpy as jnp
import numpy as np

VOCAB = 100000
DIM = 128
MASKID = 0  # worddic['<MASK>'] == 0 -> padding_idx


def setup_inputs(seed: int = 0) -> dict:
    key = jax.random.key(seed)
    k1, k2 = jax.random.split(key)
    x = jax.random.randint(k1, (4096, 50), 0, VOCAB)
    table = jax.random.normal(k2, (VOCAB, DIM), dtype=jnp.float32)
    # nn.Embedding with padding_idx zeroes the padding row at init
    table = table.at[MASKID].set(0.0)
    return {"x": x, "table": table}


def reference(x, table):
    # WordEmb.forward: embedding lookup + mask (maskid is set since '<MASK>' in worddic)
    ret = jnp.take(table, x, axis=0)
    mask = (x != MASKID).astype(jnp.int32)
    return (ret, mask)

if __name__ == "__main__":
    import jax
    _d = setup_inputs()
    print(jax.jit(kernel)(*tuple(_d.values())))

</pallas_src>

<mosaic_0001>
#map = affine_map<(d0, d1) -> (0, 0)>
#map1 = affine_map<(d0, d1) -> (0, 0, 0)>
module attributes {stable_mosaic.version = 14 : i64} {
  func.func @emb(%arg0: i32, %arg1: i32, %arg2: memref<50x4096xi32, #tpu.memory_space<hbm>>, %arg3: memref<100000x128xf32, #tpu.memory_space<hbm>>, %arg4: memref<50x4096x128xf32, #tpu.memory_space<hbm>>, %arg5: memref<50x4096xi32, #tpu.memory_space<hbm>>, %arg6: memref<50x128xi32, #tpu.memory_space<vmem>>, %arg7: memref<50x128xi32, #tpu.memory_space<vmem>>, %arg8: memref<128x128xf32, #tpu.memory_space<vmem>>, %arg9: memref<128x128xf32, #tpu.memory_space<vmem>>, %arg10: memref<128x128xf32, #tpu.memory_space<vmem>>, %arg11: memref<128x128xf32, #tpu.memory_space<vmem>>, %arg12: memref<128x128xf32, #tpu.memory_space<vmem>>, %arg13: memref<!tpu.dma_semaphore, #tpu.memory_space<semaphore_mem>>, %arg14: memref<!tpu.dma_semaphore, #tpu.memory_space<semaphore_mem>>, %arg15: memref<!tpu.dma_semaphore, #tpu.memory_space<semaphore_mem>>, %arg16: memref<!tpu.dma_semaphore, #tpu.memory_space<semaphore_mem>>, %arg17: memref<!tpu.dma_semaphore, #tpu.memory_space<semaphore_mem>>, %arg18: memref<!tpu.dma_semaphore, #tpu.memory_space<semaphore_mem>>, %arg19: memref<!tpu.dma_semaphore, #tpu.memory_space<semaphore_mem>>, %arg20: memref<!tpu.dma_semaphore, #tpu.memory_space<semaphore_mem>>, %arg21: memref<!tpu.dma_semaphore, #tpu.memory_space<semaphore_mem>>, %arg22: memref<!tpu.dma_semaphore, #tpu.memory_space<semaphore_mem>>) attributes {dimension_semantics = [#tpu.dimension_semantics<core_parallel>, #tpu.dimension_semantics<subcore_parallel>], iteration_bounds = array<i64: 2, 16>, scalar_prefetch = 0 : i64, scratch_operands = 17 : i64, tpu.core_type = #tpu.core_type<sc_vector_subcore>, window_params = [{transform_indices = #map}, {transform_indices = #map}, {transform_indices = #map1}, {transform_indices = #map}]} {
    %mul3A = arith.constant 2 : i32
    %mul3A_0 = arith.muli %arg1, %mul3A : i32
    %add3A = arith.addi %mul3A_0, %arg0 : i32
    %mul3A_1 = arith.constant 128 : i32
    %mul3A_2 = arith.muli %add3A, %mul3A_1 : i32
    "tpu.region"() ({
      %run_scoped3A = tpu.sem_alloc : memref<!tpu.dma_semaphore, #tpu.memory_space<semaphore_mem>>
      %dma_start3A_196 = arith.constant 0 : i32
      %dma_start3A_197 = tpu.memref_slice %arg2[%dma_start3A_196, %mul3A_2] : memref<50x4096xi32, #tpu.memory_space<hbm>> -> memref<50x128xi32, #tpu.memory_space<hbm>>
      %dma_start3A_198 = arith.constant 0 : i32
      %dma_start3A_199 = tpu.memref_slice %arg2[%dma_start3A_198, %mul3A_2] : memref<50x4096xi32, #tpu.memory_space<hbm>> -> memref<50x128xi32, #tpu.memory_space<hbm>>
      tpu.enqueue_dma source(%dma_start3A_199 : memref<50x128xi32, #tpu.memory_space<hbm>>) target(%arg6 : memref<50x128xi32, #tpu.memory_space<vmem>>) target_semaphore(%run_scoped3A : memref<!tpu.dma_semaphore, #tpu.memory_space<semaphore_mem>>)
      %dma_wait3A_200 = arith.constant 0 : i32
      %dma_wait3A_201 = tpu.memref_slice %arg2[%dma_wait3A_200, %mul3A_2] : memref<50x4096xi32, #tpu.memory_space<hbm>> -> memref<50x128xi32, #tpu.memory_space<hbm>>
      %dma_wait3A_202 = arith.constant 0 : i32
      %dma_wait3A_203 = tpu.memref_slice %arg2[%dma_wait3A_202, %mul3A_2] : memref<50x4096xi32, #tpu.memory_space<hbm>> -> memref<50x128xi32, #tpu.memory_space<hbm>>
      tpu.wait_dma2 semaphore(%run_scoped3A : memref<!tpu.dma_semaphore, #tpu.memory_space<semaphore_mem>>) src(%dma_wait3A_203 : memref<50x128xi32, #tpu.memory_space<hbm>>) dst(%arg6 : memref<50x128xi32, #tpu.memory_space<vmem>>)
      tpu.yield
    }) : () -> ()
    %dma_start3A = arith.constant 0 : i32
    %dma_start3A_3 = arith.constant 0 : i32
    %dma_start3A_4 = tpu.memref_slice %arg6[%dma_start3A, %dma_start3A_3] : memref<50x128xi32, #tpu.memory_space<vmem>> -> memref<1x128xi32, #tpu.memory_space<vmem>>
    %dma_start3A_5 = tpu.memref_squeeze %dma_start3A_4 : memref<1x128xi32, #tpu.memory_space<vmem>> -> memref<128xi32, #tpu.memory_space<vmem>>
    %dma_start3A_6 = arith.constant 0 : i32
    %dma_start3A_7 = arith.constant 0 : i32
    %dma_start3A_8 = tpu.memref_slice %arg3[%dma_start3A_6, %dma_start3A_7] : memref<100000x128xf32, #tpu.memory_space<hbm>> -> memref<100000x128xf32, #tpu.memory_space<hbm>>
    tpu.enqueue_indirect_dma source(%dma_start3A_8 : memref<100000x128xf32, #tpu.memory_space<hbm>>) target(%arg8 : memref<128x128xf32, #tpu.memory_space<vmem>>) offsets(%dma_start3A_5 : memref<128xi32, #tpu.memory_space<vmem>>) semaphore(%arg13 : memref<!tpu.dma_semaphore, #tpu.memory_space<semaphore_mem>>)
    %dma_start3A_9 = arith.constant 1 : i32
    %dma_start3A_10 = arith.constant 0 : i32
    %dma_start3A_11 = tpu.memref_slice %arg6[%dma_start3A_9, %dma_start3A_10] : memref<50x128xi32, #tpu.memory_space<vmem>> -> memref<1x128xi32, #tpu.memory_space<vmem>>
    %dma_start3A_12 = tpu.memref_squeeze %dma_start3A_11 : memref<1x128xi32, #tpu.memory_space<vmem>> -> memref<128xi32, #tpu.memory_space<vmem>>
    %dma_start3A_13 = arith.constant 0 : i32
    %dma_start3A_14 = arith.constant 0 : i32
    %dma_start3A_15 = tpu.memref_slice %arg3[%dma_start3A_13, %dma_start3A_14] : memref<100000x128xf32, #tpu.memory_space<hbm>> -> memref<100000x128xf32, #tpu.memory_space<hbm>>
    tpu.enqueue_indirect_dma source(%dma_start3A_15 : memref<100000x128xf32, #tpu.memory_space<hbm>>) target(%arg9 : memref<128x128xf32, #tpu.memory_space<vmem>>) offsets(%dma_start3A_12 : memref<128xi32, #tpu.memory_space<vmem>>) semaphore(%arg14 : memref<!tpu.dma_semaphore, #tpu.memory_space<semaphore_mem>>)
    %dma_start3A_16 = arith.constant 2 : i32
    %dma_start3A_17 = arith.constant 0 : i32
    %dma_start3A_18 = tpu.memref_slice %arg6[%dma_start3A_16, %dma_start3A_17] : memref<50x128xi32, #tpu.memory_space<vmem>> -> memref<1x128xi32, #tpu.memory_space<vmem>>
    %dma_start3A_19 = tpu.memref_squeeze %dma_start3A_18 : memref<1x128xi32, #tpu.memory_space<vmem>> -> memref<128xi32, #tpu.memory_space<vmem>>
    %dma_start3A_20 = arith.constant 0 : i32
    %dma_start3A_21 = arith.constant 0 : i32
    %dma_start3A_22 = tpu.memref_slice %arg3[%dma_start3A_20, %dma_start3A_21] : memref<100000x128xf32, #tpu.memory_space<hbm>> -> memref<100000x128xf32, #tpu.memory_space<hbm>>
    tpu.enqueue_indirect_dma source(%dma_start3A_22 : memref<100000x128xf32, #tpu.memory_space<hbm>>) target(%arg10 : memref<128x128xf32, #tpu.memory_space<vmem>>) offsets(%dma_start3A_19 : memref<128xi32, #tpu.memory_space<vmem>>) semaphore(%arg15 : memref<!tpu.dma_semaphore, #tpu.memory_space<semaphore_mem>>)
    %dma_wait3A = arith.constant 0 : i32
    %dma_wait3A_23 = arith.constant 0 : i32
    %dma_wait3A_24 = tpu.memref_slice %arg6[%dma_wait3A, %dma_wait3A_23] : memref<50x128xi32, #tpu.memory_space<vmem>> -> memref<1x128xi32, #tpu.memory_space<vmem>>
    %dma_wait3A_25 = tpu.memref_squeeze %dma_wait3A_24 : memref<1x128xi32, #tpu.memory_space<vmem>> -> memref<128xi32, #tpu.memory_space<vmem>>
    %dma_wait3A_26 = arith.constant 0 : i32
    %dma_wait3A_27 = arith.constant 0 : i32
    %dma_wait3A_28 = tpu.memref_slice %arg3[%dma_wait3A_26, %dma_wait3A_27] : memref<100000x128xf32, #tpu.memory_space<hbm>> -> memref<100000x128xf32, #tpu.memory_space<hbm>>
    tpu.wait_indirect_dma semaphore(%arg13 : memref<!tpu.dma_semaphore, #tpu.memory_space<semaphore_mem>>) src(%dma_wait3A_28 : memref<100000x128xf32, #tpu.memory_space<hbm>>) dst(%arg8 : memref<128x128xf32, #tpu.memory_space<vmem>>)
    %dma_start3A_29 = arith.constant 0 : i32
    %dma_start3A_30 = arith.constant 0 : i32
    %dma_start3A_31 = tpu.memref_slice %arg4[%dma_start3A_29, %mul3A_2, %dma_start3A_30] : memref<50x4096x128xf32, #tpu.memory_space<hbm>> -> memref<1x128x128xf32, #tpu.memory_space<hbm>>
    %dma_start3A_32 = tpu.memref_squeeze %dma_start3A_31 : memref<1x128x128xf32, #tpu.memory_space<hbm>> -> memref<128x128xf32, #tpu.memory_space<hbm>>
    %dma_start3A_33 = arith.constant 0 : i32
    %dma_start3A_34 = tpu.memref_slice %arg4[%dma_start3A_29, %mul3A_2, %dma_start3A_33] : memref<50x4096x128xf32, #tpu.memory_space<hbm>> -> memref<1x128x128xf32, #tpu.memory_space<hbm>>
    %dma_start3A_35 = tpu.memref_squeeze %dma_start3A_34 : memref<1x128x128xf32, #tpu.memory_space<hbm>> -> memref<128x128xf32, #tpu.memory_space<hbm>>
    tpu.enqueue_dma source(%arg8 : memref<128x128xf32, #tpu.memory_space<vmem>>) target(%dma_start3A_35 : memref<128x128xf32, #tpu.memory_space<hbm>>) target_semaphore(%arg18 : memref<!tpu.dma_semaphore, #tpu.memory_space<semaphore_mem>>)
    %dma_start3A_36 = arith.constant 3 : i32
    %dma_start3A_37 = arith.constant 0 : i32
    %dma_start3A_38 = tpu.memref_slice %arg6[%dma_start3A_36, %dma_start3A_37] : memref<50x128xi32, #tpu.memory_space<vmem>> -> memref<1x128xi32, #tpu.memory_space<vmem>>
    %dma_start3A_39 = tpu.memref_squeeze %dma_start3A_38 : memref<1x128xi32, #tpu.memory_space<vmem>> -> memref<128xi32, #tpu.memory_space<vmem>>
    %dma_start3A_40 = arith.constant 0 : i32
    %dma_start3A_41 = arith.constant 0 : i32
    %dma_start3A_42 = tpu.memref_slice %arg3[%dma_start3A_40, %dma_start3A_41] : memref<100000x128xf32, #tpu.memory_space<hbm>> -> memref<100000x128xf32, #tpu.memory_space<hbm>>
    tpu.enqueue_indirect_dma source(%dma_start3A_42 : memref<100000x128xf32, #tpu.memory_space<hbm>>) target(%arg11 : memref<128x128xf32, #tpu.memory_space<vmem>>) offsets(%dma_start3A_39 : memref<128xi32, #tpu.memory_space<vmem>>) semaphore(%arg16 : memref<!tpu.dma_semaphore, #tpu.memory_space<semaphore_mem>>)
    %dma_wait3A_43 = arith.constant 1 : i32
    %dma_wait3A_44 = arith.constant 0 : i32
    %dma_wait3A_45 = tpu.memref_slice %arg6[%dma_wait3A_43, %dma_wait3A_44] : memref<50x128xi32, #tpu.memory_space<vmem>> -> memref<1x128xi32, #tpu.memory_space<vmem>>
    %dma_wait3A_46 = tpu.memref_squeeze %dma_wait3A_45 : memref<1x128xi32, #tpu.memory_space<vmem>> -> memref<128xi32, #tpu.memory_space<vmem>>
    %dma_wait3A_47 = arith.constant 0 : i32
    %dma_wait3A_48 = arith.constant 0 : i32
    %dma_wait3A_49 = tpu.memref_slice %arg3[%dma_wait3A_47, %dma_wait3A_48] : memref<100000x128xf32, #tpu.memory_space<hbm>> -> memref<100000x128xf32, #tpu.memory_space<hbm>>
    tpu.wait_indirect_dma semaphore(%arg14 : memref<!tpu.dma_semaphore, #tpu.memory_space<semaphore_mem>>) src(%dma_wait3A_49 : memref<100000x128xf32, #tpu.memory_space<hbm>>) dst(%arg9 : memref<128x128xf32, #tpu.memory_space<vmem>>)
    %dma_start3A_50 = arith.constant 1 : i32
    %dma_start3A_51 = arith.constant 0 : i32
    %dma_start3A_52 = tpu.memref_slice %arg4[%dma_start3A_50, %mul3A_2, %dma_start3A_51] : memref<50x4096x128xf32, #tpu.memory_space<hbm>> -> memref<1x128x128xf32, #tpu.memory_space<hbm>>
    %dma_start3A_53 = tpu.memref_squeeze %dma_start3A_52 : memref<1x128x128xf32, #tpu.memory_space<hbm>> -> memref<128x128xf32, #tpu.memory_space<hbm>>
    %dma_start3A_54 = arith.constant 0 : i32
    %dma_start3A_55 = tpu.memref_slice %arg4[%dma_start3A_50, %mul3A_2, %dma_start3A_54] : memref<50x4096x128xf32, #tpu.memory_space<hbm>> -> memref<1x128x128xf32, #tpu.memory_space<hbm>>
    %dma_start3A_56 = tpu.memref_squeeze %dma_start3A_55 : memref<1x128x128xf32, #tpu.memory_space<hbm>> -> memref<128x128xf32, #tpu.memory_space<hbm>>
    tpu.enqueue_dma source(%arg9 : memref<128x128xf32, #tpu.memory_space<vmem>>) target(%dma_start3A_56 : memref<128x128xf32, #tpu.memory_space<hbm>>) target_semaphore(%arg19 : memref<!tpu.dma_semaphore, #tpu.memory_space<semaphore_mem>>)
    %dma_start3A_57 = arith.constant 4 : i32
    %dma_start3A_58 = arith.constant 0 : i32
    %dma_start3A_59 = tpu.memref_slice %arg6[%dma_start3A_57, %dma_start3A_58] : memref<50x128xi32, #tpu.memory_space<vmem>> -> memref<1x128xi32, #tpu.memory_space<vmem>>
    %dma_start3A_60 = tpu.memref_squeeze %dma_start3A_59 : memref<1x128xi32, #tpu.memory_space<vmem>> -> memref<128xi32, #tpu.memory_space<vmem>>
    %dma_start3A_61 = arith.constant 0 : i32
    %dma_start3A_62 = arith.constant 0 : i32
    %dma_start3A_63 = tpu.memref_slice %arg3[%dma_start3A_61, %dma_start3A_62] : memref<100000x128xf32, #tpu.memory_space<hbm>> -> memref<100000x128xf32, #tpu.memory_space<hbm>>
    tpu.enqueue_indirect_dma source(%dma_start3A_63 : memref<100000x128xf32, #tpu.memory_space<hbm>>) target(%arg12 : memref<128x128xf32, #tpu.memory_space<vmem>>) offsets(%dma_start3A_60 : memref<128xi32, #tpu.memory_space<vmem>>) semaphore(%arg17 : memref<!tpu.dma_semaphore, #tpu.memory_space<semaphore_mem>>)
    %dma_wait3A_64 = arith.constant 2 : i32
    %dma_wait3A_65 = arith.constant 0 : i32
    %dma_wait3A_66 = tpu.memref_slice %arg6[%dma_wait3A_64, %dma_wait3A_65] : memref<50x128xi32, #tpu.memory_space<vmem>> -> memref<1x128xi32, #tpu.memory_space<vmem>>
    %dma_wait3A_67 = tpu.memref_squeeze %dma_wait3A_66 : memref<1x128xi32, #tpu.memory_space<vmem>> -> memref<128xi32, #tpu.memory_space<vmem>>
    %dma_wait3A_68 = arith.constant 0 : i32
    %dma_wait3A_69 = arith.constant 0 : i32
    %dma_wait3A_70 = tpu.memref_slice %arg3[%dma_wait3A_68, %dma_wait3A_69] : memref<100000x128xf32, #tpu.memory_space<hbm>> -> memref<100000x128xf32, #tpu.memory_space<hbm>>
    tpu.wait_indirect_dma semaphore(%arg15 : memref<!tpu.dma_semaphore, #tpu.memory_space<semaphore_mem>>) src(%dma_wait3A_70 : memref<100000x128xf32, #tpu.memory_space<hbm>>) dst(%arg10 : memref<128x128xf32, #tpu.memory_space<vmem>>)
    %dma_start3A_71 = arith.constant 2 : i32
    %dma_start3A_72 = arith.constant 0 : i32
    %dma_start3A_73 = tpu.memref_slice %arg4[%dma_start3A_71, %mul3A_2, %dma_start3A_72] : memref<50x4096x128xf32, #tpu.memory_space<hbm>> -> memref<1x128x128xf32, #tpu.memory_space<hbm>>
    %dma_start3A_74 = tpu.memref_squeeze %dma_start3A_73 : memref<1x128x128xf32, #tpu.memory_space<hbm>> -> memref<128x128xf32, #tpu.memory_space<hbm>>
    %dma_start3A_75 = arith.constant 0 : i32
    %dma_start3A_76 = tpu.memref_slice %arg4[%dma_start3A_71, %mul3A_2, %dma_start3A_75] : memref<50x4096x128xf32, #tpu.memory_space<hbm>> -> memref<1x128x128xf32, #tpu.memory_space<hbm>>
    %dma_start3A_77 = tpu.memref_squeeze %dma_start3A_76 : memref<1x128x128xf32, #tpu.memory_space<hbm>> -> memref<128x128xf32, #tpu.memory_space<hbm>>
    tpu.enqueue_dma source(%arg10 : memref<128x128xf32, #tpu.memory_space<vmem>>) target(%dma_start3A_77 : memref<128x128xf32, #tpu.memory_space<hbm>>) target_semaphore(%arg20 : memref<!tpu.dma_semaphore, #tpu.memory_space<semaphore_mem>>)
    %dma_wait3A_78 = arith.constant 0 : i32
    %dma_wait3A_79 = arith.constant 0 : i32
    %dma_wait3A_80 = tpu.memref_slice %arg4[%dma_wait3A_78, %mul3A_2, %dma_wait3A_79] : memref<50x4096x128xf32, #tpu.memory_space<hbm>> -> memref<1x128x128xf32, #tpu.memory_space<hbm>>
    %dma_wait3A_81 = tpu.memref_squeeze %dma_wait3A_80 : memref<1x128x128xf32, #tpu.memory_space<hbm>> -> memref<128x128xf32, #tpu.memory_space<hbm>>
    %dma_wait3A_82 = arith.constant 0 : i32
    %dma_wait3A_83 = tpu.memref_slice %arg4[%dma_wait3A_78, %mul3A_2, %dma_wait3A_82] : memref<50x4096x128xf32, #tpu.memory_space<hbm>> -> memref<1x128x128xf32, #tpu.memory_space<hbm>>
    %dma_wait3A_84 = tpu.memref_squeeze %dma_wait3A_83 : memref<1x128x128xf32, #tpu.memory_space<hbm>> -> memref<128x128xf32, #tpu.memory_space<hbm>>
    tpu.wait_dma2 semaphore(%arg18 : memref<!tpu.dma_semaphore, #tpu.memory_space<semaphore_mem>>) src(%arg8 : memref<128x128xf32, #tpu.memory_space<vmem>>) dst(%dma_wait3A_84 : memref<128x128xf32, #tpu.memory_space<hbm>>)
    %dma_start3A_85 = arith.constant 5 : i32
    %dma_start3A_86 = arith.constant 0 : i32
    %dma_start3A_87 = tpu.memref_slice %arg6[%dma_start3A_85, %dma_start3A_86] : memref<50x128xi32, #tpu.memory_space<vmem>> -> memref<1x128xi32, #tpu.memory_space<vmem>>
    %dma_start3A_88 = tpu.memref_squeeze %dma_start3A_87 : memref<1x128xi32, #tpu.memory_space<vmem>> -> memref<128xi32, #tpu.memory_space<vmem>>
    %dma_start3A_89 = arith.constant 0 : i32
    %dma_start3A_90 = arith.constant 0 : i32
    %dma_start3A_91 = tpu.memref_slice %arg3[%dma_start3A_89, %dma_start3A_90] : memref<100000x128xf32, #tpu.memory_space<hbm>> -> memref<100000x128xf32, #tpu.memory_space<hbm>>
    tpu.enqueue_indirect_dma source(%dma_start3A_91 : memref<100000x128xf32, #tpu.memory_space<hbm>>) target(%arg8 : memref<128x128xf32, #tpu.memory_space<vmem>>) offsets(%dma_start3A_88 : memref<128xi32, #tpu.memory_space<vmem>>) semaphore(%arg13 : memref<!tpu.dma_semaphore, #tpu.memory_space<semaphore_mem>>)
    %dma_wait3A_92 = arith.constant 3 : i32
    %dma_wait3A_93 = arith.constant 0 : i32
    %dma_wait3A_94 = tpu.memref_slice %arg6[%dma_wait3A_92, %dma_wait3A_93] : memref<50x128xi32, #tpu.memory_space<vmem>> -> memref<1x128xi32, #tpu.memory_space<vmem>>
    %dma_wait3A_95 = tpu.memref_squeeze %dma_wait3A_94 : memref<1x128xi32, #tpu.memory_space<vmem>> -> memref<128xi32, #tpu.memory_space<vmem>>
    %dma_wait3A_96 = arith.constant 0 : i32
    %dma_wait3A_97 = arith.constant 0 : i32
    %dma_wait3A_98 = tpu.memref_slice %arg3[%dma_wait3A_96, %dma_wait3A_97] : memref<100000x128xf32, #tpu.memory_space<hbm>> -> memref<100000x128xf32, #tpu.memory_space<hbm>>
    tpu.wait_indirect_dma semaphore(%arg16 : memref<!tpu.dma_semaphore, #tpu.memory_space<semaphore_mem>>) src(%dma_wait3A_98 : memref<100000x128xf32, #tpu.memory_space<hbm>>) dst(%arg11 : memref<128x128xf32, #tpu.memory_space<vmem>>)
    %dma_start3A_99 = arith.constant 3 : i32
    %dma_start3A_100 = arith.constant 0 : i32
    %dma_start3A_101 = tpu.memref_slice %arg4[%dma_start3A_99, %mul3A_2, %dma_start3A_100] : memref<50x4096x128xf32, #tpu.memory_space<hbm>> -> memref<1x128x128xf32, #tpu.memory_space<hbm>>
    %dma_start3A_102 = tpu.memref_squeeze %dma_start3A_101 : memref<1x128x128xf32, #tpu.memory_space<hbm>> -> memref<128x128xf32, #tpu.memory_space<hbm>>
    %dma_start3A_103 = arith.constant 0 : i32
    %dma_start3A_104 = tpu.memref_slice %arg4[%dma_start3A_99, %mul3A_2, %dma_start3A_103] : memref<50x4096x128xf32, #tpu.memory_space<hbm>> -> memref<1x128x128xf32, #tpu.memory_space<hbm>>
    %dma_start3A_105 = tpu.memref_squeeze %dma_start3A_104 : memref<1x128x128xf32, #tpu.memory_space<hbm>> -> memref<128x128xf32, #tpu.memory_space<hbm>>
    tpu.enqueue_dma source(%arg11 : memref<128x128xf32, #tpu.memory_space<vmem>>) target(%dma_start3A_105 : memref<128x128xf32, #tpu.memory_space<hbm>>) target_semaphore(%arg21 : memref<!tpu.dma_semaphore, #tpu.memory_space<semaphore_mem>>)
    %dma_wait3A_106 = arith.constant 1 : i32
    %dma_wait3A_107 = arith.constant 0 : i32
    %dma_wait3A_108 = tpu.memref_slice %arg4[%dma_wait3A_106, %mul3A_2, %dma_wait3A_107] : memref<50x4096x128xf32, #tpu.memory_space<hbm>> -> memref<1x128x128xf32, #tpu.memory_space<hbm>>
    %dma_wait3A_109 = tpu.memref_squeeze %dma_wait3A_108 : memref<1x128x128xf32, #tpu.memory_space<hbm>> -> memref<128x128xf32, #tpu.memory_space<hbm>>
    %dma_wait3A_110 = arith.constant 0 : i32
    %dma_wait3A_111 = tpu.memref_slice %arg4[%dma_wait3A_106, %mul3A_2, %dma_wait3A_110] : memref<50x4096x128xf32, #tpu.memory_space<hbm>> -> memref<1x128x128xf32, #tpu.memory_space<hbm>>
    %dma_wait3A_112 = tpu.memref_squeeze %dma_wait3A_111 : memref<1x128x128xf32, #tpu.memory_space<hbm>> -> memref<128x128xf32, #tpu.memory_space<hbm>>
    tpu.wait_dma2 semaphore(%arg19 : memref<!tpu.dma_semaphore, #tpu.memory_space<semaphore_mem>>) src(%arg9 : memref<128x128xf32, #tpu.memory_space<vmem>>) dst(%dma_wait3A_112 : memref<128x128xf32, #tpu.memory_space<hbm>>)
    %dma_start3A_113 = arith.constant 6 : i32
    %dma_start3A_114 = arith.constant 0 : i32
    %dma_start3A_115 = tpu.memref_slice %arg6[%dma_start3A_113, %dma_start3A_114] : memref<50x128xi32, #tpu.memory_space<vmem>> -> memref<1x128xi32, #tpu.memory_space<vmem>>
    %dma_start3A_116 = tpu.memref_squeeze %dma_start3A_115 : memref<1x128xi32, #tpu.memory_space<vmem>> -> memref<128xi32, #tpu.memory_space<vmem>>
    %dma_start3A_117 = arith.constant 0 : i32
    %dma_start3A_118 = arith.constant 0 : i32
    %dma_start3A_119 = tpu.memref_slice %arg3[%dma_start3A_117, %dma_start3A_118] : memref<100000x128xf32, #tpu.memory_space<hbm>> -> memref<100000x128xf32, #tpu.memory_space<hbm>>
    tpu.enqueue_indirect_dma source(%dma_start3A_119 : memref<100000x128xf32, #tpu.memory_space<hbm>>) target(%arg9 : memref<128x128xf32, #tpu.memory_space<vmem>>) offsets(%dma_start3A_116 : memref<128xi32, #tpu.memory_space<vmem>>) semaphore(%arg14 : memref<!tpu.dma_semaphore, #tpu.memory_space<semaphore_mem>>)
    %dma_wait3A_120 = arith.constant 4 : i32
    %dma_wait3A_121 = arith.constant 0 : i32
    %dma_wait3A_122 = tpu.memref_slice %arg6[%dma_wait3A_120, %dma_wait3A_121] : memref<50x128xi32, #tpu.memory_space<vmem>> -> memref<1x128xi32, #tpu.memory_space<vmem>>
    %dma_wait3A_123 = tpu.memref_squeeze %dma_wait3A_122 : memref<1x128xi32, #tpu.memory_space<vmem>> -> memref<128xi32, #tpu.memory_space<vmem>>
    %dma_wait3A_124 = arith.constant 0 : i32
    %dma_wait3A_125 = arith.constant 0 : i32
    %dma_wait3A_126 = tpu.memref_slice %arg3[%dma_wait3A_124, %dma_wait3A_125] : memref<100000x128xf32, #tpu.memory_space<hbm>> -> memref<100000x128xf32, #tpu.memory_space<hbm>>
    tpu.wait_indirect_dma semaphore(%arg17 : memref<!tpu.dma_semaphore, #tpu.memory_space<semaphore_mem>>) src(%dma_wait3A_126 : memref<100000x128xf32, #tpu.memory_space<hbm>>) dst(%arg12 : memref<128x128xf32, #tpu.memory_space<vmem>>)
    %dma_start3A_127 = arith.constant 4 : i32
    %dma_start3A_128 = arith.constant 0 : i32
    %dma_start3A_129 = tpu.memref_slice %arg4[%dma_start3A_127, %mul3A_2, %dma_start3A_128] : memref<50x4096x128xf32, #tpu.memory_space<hbm>> -> memref<1x128x128xf32, #tpu.memory_space<hbm>>
    %dma_start3A_130 = tpu.memref_squeeze %dma_start3A_129 : memref<1x128x128xf32, #tpu.memory_space<hbm>> -> memref<128x128xf32, #tpu.memory_space<hbm>>
    %dma_start3A_131 = arith.constant 0 : i32
    %dma_start3A_132 = tpu.memref_slice %arg4[%dma_start3A_127, %mul3A_2, %dma_start3A_131] : memref<50x4096x128xf32, #tpu.memory_space<hbm>> -> memref<1x128x128xf32, #tpu.memory_space<hbm>>
    %dma_start3A_133 = tpu.memref_squeeze %dma_start3A_132 : memref<1x128x128xf32, #tpu.memory_space<hbm>> -> memref<128x128xf32, #tpu.memory_space<hbm>>
    tpu.enqueue_dma source(%arg12 : memref<128x128xf32, #tpu.memory_space<vmem>>) target(%dma_start3A_133 : memref<128x128xf32, #tpu.memory_space<hbm>>) target_semaphore(%arg22 : memref<!tpu.dma_semaphore, #tpu.memory_space<semaphore_mem>>)
    %dma_wait3A_134 = arith.constant 2 : i32
    %dma_wait3A_135 = arith.constant 0 : i32
    %dma_wait3A_136 = tpu.memref_slice %arg4[%dma_wait3A_134, %mul3A_2, %dma_wait3A_135] : memref<50x4096x128xf32, #tpu.memory_space<hbm>> -> memref<1x128x128xf32, #tpu.memory_space<hbm>>
    %dma_wait3A_137 = tpu.memref_squeeze %dma_wait3A_136 : memref<1x128x128xf32, #tpu.memory_space<hbm>> -> memref<128x128xf32, #tpu.memory_space<hbm>>
    %dma_wait3A_138 = arith.constant 0 : i32
    %dma_wait3A_139 = tpu.memref_slice %arg4[%dma_wait3A_134, %mul3A_2, %dma_wait3A_138] : memref<50x4096x128xf32, #tpu.memory_space<hbm>> -> memref<1x128x128xf32, #tpu.memory_space<hbm>>
    %dma_wait3A_140 = tpu.memref_squeeze %dma_wait3A_139 : memref<1x128x128xf32, #tpu.memory_space<hbm>> -> memref<128x128xf32, #tpu.memory_space<hbm>>
    tpu.wait_dma2 semaphore(%arg20 : memref<!tpu.dma_semaphore, #tpu.memory_space<semaphore_mem>>) src(%arg10 : memref<128x128xf32, #tpu.memory_space<vmem>>) dst(%dma_wait3A_140 : memref<128x128xf32, #tpu.memory_space<hbm>>)
    %dma_start3A_141 = arith.constant 7 : i32
    %dma_start3A_142 = arith.constant 0 : i32
    %dma_start3A_143 = tpu.memref_slice %arg6[%dma_start3A_141, %dma_start3A_142] : memref<50x128xi32, #tpu.memory_space<vmem>> -> memref<1x128xi32, #tpu.memory_space<vmem>>
    %dma_start3A_144 = tpu.memref_squeeze %dma_start3A_143 : memref<1x128xi32, #tpu.memory_space<vmem>> -> memref<128xi32, #tpu.memory_space<vmem>>
    %dma_start3A_145 = arith.constant 0 : i32
    %dma_start3A_146 = arith.constant 0 : i32
    %dma_start3A_147 = tpu.memref_slice %arg3[%dma_start3A_145, %dma_start3A_146] : memref<100000x128xf32, #tpu.memory_space<hbm>> -> memref<100000x128xf32, #tpu.memory_space<hbm>>
    tpu.enqueue_indirect_dma source(%dma_start3A_147 : memref<100000x128xf32, #tpu.memory_space<hbm>>) target(%arg10 : memref<128x128xf32, #tpu.memory_space<vmem>>) offsets(%dma_start3A_144 : memref<128xi32, #tpu.memory_space<vmem>>) semaphore(%arg15 : memref<!tpu.dma_semaphore, #tpu.memory_space<semaphore_mem>>)
    %scan3A = arith.constant 0 : i32
    %scan3A_148 = arith.constant 1 : i32
    %scan3A_149 = arith.constant 9 : i32
    %scan3A_150 = arith.addi %scan3A_148, %scan3A_149 : i32
    %scan3A_151 = arith.constant 1 : i32
    %scan3A_152 = scf.for %scan3A_196 = %scan3A_148 to %scan3A_150 step %scan3A_151 iter_args(%scan3A_197 = %scan3A) -> (i32)  : i32 {
      %mul3A_198 = arith.constant 5 : i32
      %mul3A_199 = arith.muli %scan3A_196, %mul3A_198 : i32
      %add3A_200 = arith.constant 0 : i32
      %add3A_201 = arith.addi %mul3A_199, %add3A_200 : i32
      %dma_wait3A_202 = arith.constant 0 : i32
      %dma_wait3A_203 = tpu.memref_slice %arg6[%add3A_201, %dma_wait3A_202] : memref<50x128xi32, #tpu.memory_space<vmem>> -> memref<1x128xi32, #tpu.memory_space<vmem>>
      %dma_wait3A_204 = tpu.memref_squeeze %dma_wait3A_203 : memref<1x128xi32, #tpu.memory_space<vmem>> -> memref<128xi32, #tpu.memory_space<vmem>>
      %dma_wait3A_205 = arith.constant 0 : i32
      %dma_wait3A_206 = arith.constant 0 : i32
      %dma_wait3A_207 = tpu.memref_slice %arg3[%dma_wait3A_205, %dma_wait3A_206] : memref<100000x128xf32, #tpu.memory_space<hbm>> -> memref<100000x128xf32, #tpu.memory_space<hbm>>
      tpu.wait_indirect_dma semaphore(%arg13 : memref<!tpu.dma_semaphore, #tpu.memory_space<semaphore_mem>>) src(%dma_wait3A_207 : memref<100000x128xf32, #tpu.memory_space<hbm>>) dst(%arg8 : memref<128x128xf32, #tpu.memory_space<vmem>>)
      %dma_start3A_208 = arith.constant 0 : i32
      %dma_start3A_209 = tpu.memref_slice %arg4[%add3A_201, %mul3A_2, %dma_start3A_208] : memref<50x4096x128xf32, #tpu.memory_space<hbm>> -> memref<1x128x128xf32, #tpu.memory_space<hbm>>
      %dma_start3A_210 = tpu.memref_squeeze %dma_start3A_209 : memref<1x128x128xf32, #tpu.memory_space<hbm>> -> memref<128x128xf32, #tpu.memory_space<hbm>>
      %dma_start3A_211 = arith.constant 0 : i32
      %dma_start3A_212 = tpu.memref_slice %arg4[%add3A_201, %mul3A_2, %dma_start3A_211] : memref<50x4096x128xf32, #tpu.memory_space<hbm>> -> memref<1x128x128xf32, #tpu.memory_space<hbm>>
      %dma_start3A_213 = tpu.memref_squeeze %dma_start3A_212 : memref<1x128x128xf32, #tpu.memory_space<hbm>> -> memref<128x128xf32, #tpu.memory_space<hbm>>
      tpu.enqueue_dma source(%arg8 : memref<128x128xf32, #tpu.memory_space<vmem>>) target(%dma_start3A_213 : memref<128x128xf32, #tpu.memory_space<hbm>>) target_semaphore(%arg18 : memref<!tpu.dma_semaphore, #tpu.memory_space<semaphore_mem>>)
      %add3A_214 = arith.constant 3 : i32
      %add3A_215 = arith.addi %add3A_201, %add3A_214 : i32
      %lt3A = arith.constant 50 : i32
      %lt3A_216 = arith.cmpi slt, %add3A_215, %lt3A : i32
      %convert_element_type3A = arith.extui %lt3A_216 : i1 to i32
      %cond3A = arith.constant 0 : i32
      %cond3A_217 = arith.cmpi ne, %convert_element_type3A, %cond3A : i32
      scf.if %cond3A_217 {
        %sub3A = arith.constant 5 : i32
        %sub3A_311 = arith.subi %add3A_215, %sub3A : i32
        %dma_wait3A_312 = arith.constant 0 : i32
        %dma_wait3A_313 = tpu.memref_slice %arg4[%sub3A_311, %mul3A_2, %dma_wait3A_312] : memref<50x4096x128xf32, #tpu.memory_space<hbm>> -> memref<1x128x128xf32, #tpu.memory_space<hbm>>
        %dma_wait3A_314 = tpu.memref_squeeze %dma_wait3A_313 : memref<1x128x128xf32, #tpu.memory_space<hbm>> -> memref<128x128xf32, #tpu.memory_space<hbm>>
        %dma_wait3A_315 = arith.constant 0 : i32
        %dma_wait3A_316 = tpu.memref_slice %arg4[%sub3A_311, %mul3A_2, %dma_wait3A_315] : memref<50x4096x128xf32, #tpu.memory_space<hbm>> -> memref<1x128x128xf32, #tpu.memory_space<hbm>>
        %dma_wait3A_317 = tpu.memref_squeeze %dma_wait3A_316 : memref<1x128x128xf32, #tpu.memory_space<hbm>> -> memref<128x128xf32, #tpu.memory_space<hbm>>
        tpu.wait_dma2 semaphore(%arg21 : memref<!tpu.dma_semaphore, #tpu.memory_space<semaphore_mem>>) src(%arg11 : memref<128x128xf32, #tpu.memory_space<vmem>>) dst(%dma_wait3A_317 : memref<128x128xf32, #tpu.memory_space<hbm>>)
        %dma_start3A_318 = arith.constant 0 : i32
        %dma_start3A_319 = tpu.memref_slice %arg6[%add3A_215, %dma_start3A_318] : memref<50x128xi32, #tpu.memory_space<vmem>> -> memref<1x128xi32, #tpu.memory_space<vmem>>
        %dma_start3A_320 = tpu.memref_squeeze %dma_start3A_319 : memref<1x128xi32, #tpu.memory_space<vmem>> -> memref<128xi32, #tpu.memory_space<vmem>>
        %dma_start3A_321 = arith.constant 0 : i32
        %dma_start3A_322 = arith.constant 0 : i32
        %dma_start3A_323 = tpu.memref_slice %arg3[%dma_start3A_321, %dma_start3A_322] : memref<100000x128xf32, #tpu.memory_space<hbm>> -> memref<100000x128xf32, #tpu.memory_space<hbm>>
        tpu.enqueue_indirect_dma source(%dma_start3A_323 : memref<100000x128xf32, #tpu.memory_space<hbm>>) target(%arg11 : memref<128x128xf32, #tpu.memory_space<vmem>>) offsets(%dma_start3A_320 : memref<128xi32, #tpu.memory_space<vmem>>) semaphore(%arg16 : memref<!tpu.dma_semaphore, #tpu.memory_space<semaphore_mem>>)
      } else {
      }
      %mul3A_218 = arith.constant 5 : i32
      %mul3A_219 = arith.muli %scan3A_196, %mul3A_218 : i32
      %add3A_220 = arith.constant 1 : i32
      %add3A_221 = arith.addi %mul3A_219, %add3A_220 : i32
      %dma_wait3A_222 = arith.constant 0 : i32
      %dma_wait3A_223 = tpu.memref_slice %arg6[%add3A_221, %dma_wait3A_222] : memref<50x128xi32, #tpu.memory_space<vmem>> -> memref<1x128xi32, #tpu.memory_space<vmem>>
      %dma_wait3A_224 = tpu.memref_squeeze %dma_wait3A_223 : memref<1x128xi32, #tpu.memory_space<vmem>> -> memref<128xi32, #tpu.memory_space<vmem>>
      %dma_wait3A_225 = arith.constant 0 : i32
      %dma_wait3A_226 = arith.constant 0 : i32
      %dma_wait3A_227 = tpu.memref_slice %arg3[%dma_wait3A_225, %dma_wait3A_226] : memref<100000x128xf32, #tpu.memory_space<hbm>> -> memref<100000x128xf32, #tpu.memory_space<hbm>>
      tpu.wait_indirect_dma semaphore(%arg14 : memref<!tpu.dma_semaphore, #tpu.memory_space<semaphore_mem>>) src(%dma_wait3A_227 : memref<100000x128xf32, #tpu.memory_space<hbm>>) dst(%arg9 : memref<128x128xf32, #tpu.memory_space<vmem>>)
      %dma_start3A_228 = arith.constant 0 : i32
      %dma_start3A_229 = tpu.memref_slice %arg4[%add3A_221, %mul3A_2, %dma_start3A_228] : memref<50x4096x128xf32, #tpu.memory_space<hbm>> -> memref<1x128x128xf32, #tpu.memory_space<hbm>>
      %dma_start3A_230 = tpu.memref_squeeze %dma_start3A_229 : memref<1x128x128xf32, #tpu.memory_space<hbm>> -> memref<128x128xf32, #tpu.memory_space<hbm>>
      %dma_start3A_231 = arith.constant 0 : i32
      %dma_start3A_232 = tpu.memref_slice %arg4[%add3A_221, %mul3A_2, %dma_start3A_231] : memref<50x4096x128xf32, #tpu.memory_space<hbm>> -> memref<1x128x128xf32, #tpu.memory_space<hbm>>
      %dma_start3A_233 = tpu.memref_squeeze %dma_start3A_232 : memref<1x128x128xf32, #tpu.memory_space<hbm>> -> memref<128x128xf32, #tpu.memory_space<hbm>>
      tpu.enqueue_dma source(%arg9 : memref<128x128xf32, #tpu.memory_space<vmem>>) target(%dma_start3A_233 : memref<128x128xf32, #tpu.memory_space<hbm>>) target_semaphore(%arg19 : memref<!tpu.dma_semaphore, #tpu.memory_space<semaphore_mem>>)
      %add3A_234 = arith.constant 3 : i32
      %add3A_235 = arith.addi %add3A_221, %add3A_234 : i32
      %lt3A_236 = arith.constant 50 : i32
      %lt3A_237 = arith.cmpi slt, %add3A_235, %lt3A_236 : i32
      %convert_element_type3A_238 = arith.extui %lt3A_237 : i1 to i32
      %cond3A_239 = arith.constant 0 : i32
      %cond3A_240 = arith.cmpi ne, %convert_element_type3A_238, %cond3A_239 : i32
      scf.if %cond3A_240 {
        %sub3A = arith.constant 5 : i32
        %sub3A_311 = arith.subi %add3A_235, %sub3A : i32
        %dma_wait3A_312 = arith.constant 0 : i32
        %dma_wait3A_313 = tpu.memref_slice %arg4[%sub3A_311, %mul3A_2, %dma_wait3A_312] : memref<50x4096x128xf32, #tpu.memory_space<hbm>> -> memref<1x128x128xf32, #tpu.memory_space<hbm>>
        %dma_wait3A_314 = tpu.memref_squeeze %dma_wait3A_313 : memref<1x128x128xf32, #tpu.memory_space<hbm>> -> memref<128x128xf32, #tpu.memory_space<hbm>>
        %dma_wait3A_315 = arith.constant 0 : i32
        %dma_wait3A_316 = tpu.memref_slice %arg4[%sub3A_311, %mul3A_2, %dma_wait3A_315] : memref<50x4096x128xf32, #tpu.memory_space<hbm>> -> memref<1x128x128xf32, #tpu.memory_space<hbm>>
        %dma_wait3A_317 = tpu.memref_squeeze %dma_wait3A_316 : memref<1x128x128xf32, #tpu.memory_space<hbm>> -> memref<128x128xf32, #tpu.memory_space<hbm>>
        tpu.wait_dma2 semaphore(%arg22 : memref<!tpu.dma_semaphore, #tpu.memory_space<semaphore_mem>>) src(%arg12 : memref<128x128xf32, #tpu.memory_space<vmem>>) dst(%dma_wait3A_317 : memref<128x128xf32, #tpu.memory_space<hbm>>)
        %dma_start3A_318 = arith.constant 0 : i32
        %dma_start3A_319 = tpu.memref_slice %arg6[%add3A_235, %dma_start3A_318] : memref<50x128xi32, #tpu.memory_space<vmem>> -> memref<1x128xi32, #tpu.memory_space<vmem>>
        %dma_start3A_320 = tpu.memref_squeeze %dma_start3A_319 : memref<1x128xi32, #tpu.memory_space<vmem>> -> memref<128xi32, #tpu.memory_space<vmem>>
        %dma_start3A_321 = arith.constant 0 : i32
        %dma_start3A_322 = arith.constant 0 : i32
        %dma_start3A_323 = tpu.memref_slice %arg3[%dma_start3A_321, %dma_start3A_322] : memref<100000x128xf32, #tpu.memory_space<hbm>> -> memref<100000x128xf32, #tpu.memory_space<hbm>>
        tpu.enqueue_indirect_dma source(%dma_start3A_323 : memref<100000x128xf32, #tpu.memory_space<hbm>>) target(%arg12 : memref<128x128xf32, #tpu.memory_space<vmem>>) offsets(%dma_start3A_320 : memref<128xi32, #tpu.memory_space<vmem>>) semaphore(%arg17 : memref<!tpu.dma_semaphore, #tpu.memory_space<semaphore_mem>>)
      } else {
      }
      %mul3A_241 = arith.constant 5 : i32
      %mul3A_242 = arith.muli %scan3A_196, %mul3A_241 : i32
      %add3A_243 = arith.constant 2 : i32
      %add3A_244 = arith.addi %mul3A_242, %add3A_243 : i32
      %dma_wait3A_245 = arith.constant 0 : i32
      %dma_wait3A_246 = tpu.memref_slice %arg6[%add3A_244, %dma_wait3A_245] : memref<50x128xi32, #tpu.memory_space<vmem>> -> memref<1x128xi32, #tpu.memory_space<vmem>>
      %dma_wait3A_247 = tpu.memref_squeeze %dma_wait3A_246 : memref<1x128xi32, #tpu.memory_space<vmem>> -> memref<128xi32, #tpu.memory_space<vmem>>
      %dma_wait3A_248 = arith.constant 0 : i32
      %dma_wait3A_249 = arith.constant 0 : i32
      %dma_wait3A_250 = tpu.memref_slice %arg3[%dma_wait3A_248, %dma_wait3A_249] : memref<100000x128xf32, #tpu.memory_space<hbm>> -> memref<100000x128xf32, #tpu.memory_space<hbm>>
      tpu.wait_indirect_dma semaphore(%arg15 : memref<!tpu.dma_semaphore, #tpu.memory_space<semaphore_mem>>) src(%dma_wait3A_250 : memref<100000x128xf32, #tpu.memory_space<hbm>>) dst(%arg10 : memref<128x128xf32, #tpu.memory_space<vmem>>)
      %dma_start3A_251 = arith.constant 0 : i32
      %dma_start3A_252 = tpu.memref_slice %arg4[%add3A_244, %mul3A_2, %dma_start3A_251] : memref<50x4096x128xf32, #tpu.memory_space<hbm>> -> memref<1x128x128xf32, #tpu.memory_space<hbm>>
      %dma_start3A_253 = tpu.memref_squeeze %dma_start3A_252 : memref<1x128x128xf32, #tpu.memory_space<hbm>> -> memref<128x128xf32, #tpu.memory_space<hbm>>
      %dma_start3A_254 = arith.constant 0 : i32
      %dma_start3A_255 = tpu.memref_slice %arg4[%add3A_244, %mul3A_2, %dma_start3A_254] : memref<50x4096x128xf32, #tpu.memory_space<hbm>> -> memref<1x128x128xf32, #tpu.memory_space<hbm>>
      %dma_start3A_256 = tpu.memref_squeeze %dma_start3A_255 : memref<1x128x128xf32, #tpu.memory_space<hbm>> -> memref<128x128xf32, #tpu.memory_space<hbm>>
      tpu.enqueue_dma source(%arg10 : memref<128x128xf32, #tpu.memory_space<vmem>>) target(%dma_start3A_256 : memref<128x128xf32, #tpu.memory_space<hbm>>) target_semaphore(%arg20 : memref<!tpu.dma_semaphore, #tpu.memory_space<semaphore_mem>>)
      %add3A_257 = arith.constant 3 : i32
      %add3A_258 = arith.addi %add3A_244, %add3A_257 : i32
      %lt3A_259 = arith.constant 50 : i32
      %lt3A_260 = arith.cmpi slt, %add3A_258, %lt3A_259 : i32
      %convert_element_type3A_261 = arith.extui %lt3A_260 : i1 to i32
      %cond3A_262 = arith.constant 0 : i32
      %cond3A_263 = arith.cmpi ne, %convert_element_type3A_261, %cond3A_262 : i32
      scf.if %cond3A_263 {
        %sub3A = arith.constant 5 : i32
        %sub3A_311 = arith.subi %add3A_258, %sub3A : i32
        %dma_wait3A_312 = arith.constant 0 : i32
        %dma_wait3A_313 = tpu.memref_slice %arg4[%sub3A_311, %mul3A_2, %dma_wait3A_312] : memref<50x4096x128xf32, #tpu.memory_space<hbm>> -> memref<1x128x128xf32, #tpu.memory_space<hbm>>
        %dma_wait3A_314 = tpu.memref_squeeze %dma_wait3A_313 : memref<1x128x128xf32, #tpu.memory_space<hbm>> -> memref<128x128xf32, #tpu.memory_space<hbm>>
        %dma_wait3A_315 = arith.constant 0 : i32
        %dma_wait3A_316 = tpu.memref_slice %arg4[%sub3A_311, %mul3A_2, %dma_wait3A_315] : memref<50x4096x128xf32, #tpu.memory_space<hbm>> -> memref<1x128x128xf32, #tpu.memory_space<hbm>>
        %dma_wait3A_317 = tpu.memref_squeeze %dma_wait3A_316 : memref<1x128x128xf32, #tpu.memory_space<hbm>> -> memref<128x128xf32, #tpu.memory_space<hbm>>
        tpu.wait_dma2 semaphore(%arg18 : memref<!tpu.dma_semaphore, #tpu.memory_space<semaphore_mem>>) src(%arg8 : memref<128x128xf32, #tpu.memory_space<vmem>>) dst(%dma_wait3A_317 : memref<128x128xf32, #tpu.memory_space<hbm>>)
        %dma_start3A_318 = arith.constant 0 : i32
        %dma_start3A_319 = tpu.memref_slice %arg6[%add3A_258, %dma_start3A_318] : memref<50x128xi32, #tpu.memory_space<vmem>> -> memref<1x128xi32, #tpu.memory_space<vmem>>
        %dma_start3A_320 = tpu.memref_squeeze %dma_start3A_319 : memref<1x128xi32, #tpu.memory_space<vmem>> -> memref<128xi32, #tpu.memory_space<vmem>>
        %dma_start3A_321 = arith.constant 0 : i32
        %dma_start3A_322 = arith.constant 0 : i32
        %dma_start3A_323 = tpu.memref_slice %arg3[%dma_start3A_321, %dma_start3A_322] : memref<100000x128xf32, #tpu.memory_space<hbm>> -> memref<100000x128xf32, #tpu.memory_space<hbm>>
        tpu.enqueue_indirect_dma source(%dma_start3A_323 : memref<100000x128xf32, #tpu.memory_space<hbm>>) target(%arg8 : memref<128x128xf32, #tpu.memory_space<vmem>>) offsets(%dma_start3A_320 : memref<128xi32, #tpu.memory_space<vmem>>) semaphore(%arg13 : memref<!tpu.dma_semaphore, #tpu.memory_space<semaphore_mem>>)
      } else {
      }
      %mul3A_264 = arith.constant 5 : i32
      %mul3A_265 = arith.muli %scan3A_196, %mul3A_264 : i32
      %add3A_266 = arith.constant 3 : i32
      %add3A_267 = arith.addi %mul3A_265, %add3A_266 : i32
      %dma_wait3A_268 = arith.constant 0 : i32
      %dma_wait3A_269 = tpu.memref_slice %arg6[%add3A_267, %dma_wait3A_268] : memref<50x128xi32, #tpu.memory_space<vmem>> -> memref<1x128xi32, #tpu.memory_space<vmem>>
      %dma_wait3A_270 = tpu.memref_squeeze %dma_wait3A_269 : memref<1x128xi32, #tpu.memory_space<vmem>> -> memref<128xi32, #tpu.memory_space<vmem>>
      %dma_wait3A_271 = arith.constant 0 : i32
      %dma_wait3A_272 = arith.constant 0 : i32
      %dma_wait3A_273 = tpu.memref_slice %arg3[%dma_wait3A_271, %dma_wait3A_272] : memref<100000x128xf32, #tpu.memory_space<hbm>> -> memref<100000x128xf32, #tpu.memory_space<hbm>>
      tpu.wait_indirect_dma semaphore(%arg16 : memref<!tpu.dma_semaphore, #tpu.memory_space<semaphore_mem>>) src(%dma_wait3A_273 : memref<100000x128xf32, #tpu.memory_space<hbm>>) dst(%arg11 : memref<128x128xf32, #tpu.memory_space<vmem>>)
      %dma_start3A_274 = arith.constant 0 : i32
      %dma_start3A_275 = tpu.memref_slice %arg4[%add3A_267, %mul3A_2, %dma_start3A_274] : memref<50x4096x128xf32, #tpu.memory_space<hbm>> -> memref<1x128x128xf32, #tpu.memory_space<hbm>>
      %dma_start3A_276 = tpu.memref_squeeze %dma_start3A_275 : memref<1x128x128xf32, #tpu.memory_space<hbm>> -> memref<128x128xf32, #tpu.memory_space<hbm>>
      %dma_start3A_277 = arith.constant 0 : i32
      %dma_start3A_278 = tpu.memref_slice %arg4[%add3A_267, %mul3A_2, %dma_start3A_277] : memref<50x4096x128xf32, #tpu.memory_space<hbm>> -> memref<1x128x128xf32, #tpu.memory_space<hbm>>
      %dma_start3A_279 = tpu.memref_squeeze %dma_start3A_278 : memref<1x128x128xf32, #tpu.memory_space<hbm>> -> memref<128x128xf32, #tpu.memory_space<hbm>>
      tpu.enqueue_dma source(%arg11 : memref<128x128xf32, #tpu.memory_space<vmem>>) target(%dma_start3A_279 : memref<128x128xf32, #tpu.memory_space<hbm>>) target_semaphore(%arg21 : memref<!tpu.dma_semaphore, #tpu.memory_space<semaphore_mem>>)
      %add3A_280 = arith.constant 3 : i32
      %add3A_281 = arith.addi %add3A_267, %add3A_280 : i32
      %lt3A_282 = arith.constant 50 : i32
      %lt3A_283 = arith.cmpi slt, %add3A_281, %lt3A_282 : i32
      %convert_element_type3A_284 = arith.extui %lt3A_283 : i1 to i32
      %cond3A_285 = arith.constant 0 : i32
      %cond3A_286 = arith.cmpi ne, %convert_element_type3A_284, %cond3A_285 : i32
      scf.if %cond3A_286 {
        %sub3A = arith.constant 5 : i32
        %sub3A_311 = arith.subi %add3A_281, %sub3A : i32
        %dma_wait3A_312 = arith.constant 0 : i32
        %dma_wait3A_313 = tpu.memref_slice %arg4[%sub3A_311, %mul3A_2, %dma_wait3A_312] : memref<50x4096x128xf32, #tpu.memory_space<hbm>> -> memref<1x128x128xf32, #tpu.memory_space<hbm>>
        %dma_wait3A_314 = tpu.memref_squeeze %dma_wait3A_313 : memref<1x128x128xf32, #tpu.memory_space<hbm>> -> memref<128x128xf32, #tpu.memory_space<hbm>>
        %dma_wait3A_315 = arith.constant 0 : i32
        %dma_wait3A_316 = tpu.memref_slice %arg4[%sub3A_311, %mul3A_2, %dma_wait3A_315] : memref<50x4096x128xf32, #tpu.memory_space<hbm>> -> memref<1x128x128xf32, #tpu.memory_space<hbm>>
        %dma_wait3A_317 = tpu.memref_squeeze %dma_wait3A_316 : memref<1x128x128xf32, #tpu.memory_space<hbm>> -> memref<128x128xf32, #tpu.memory_space<hbm>>
        tpu.wait_dma2 semaphore(%arg19 : memref<!tpu.dma_semaphore, #tpu.memory_space<semaphore_mem>>) src(%arg9 : memref<128x128xf32, #tpu.memory_space<vmem>>) dst(%dma_wait3A_317 : memref<128x128xf32, #tpu.memory_space<hbm>>)
        %dma_start3A_318 = arith.constant 0 : i32
        %dma_start3A_319 = tpu.memref_slice %arg6[%add3A_281, %dma_start3A_318] : memref<50x128xi32, #tpu.memory_space<vmem>> -> memref<1x128xi32, #tpu.memory_space<vmem>>
        %dma_start3A_320 = tpu.memref_squeeze %dma_start3A_319 : memref<1x128xi32, #tpu.memory_space<vmem>> -> memref<128xi32, #tpu.memory_space<vmem>>
        %dma_start3A_321 = arith.constant 0 : i32
        %dma_start3A_322 = arith.constant 0 : i32
        %dma_start3A_323 = tpu.memref_slice %arg3[%dma_start3A_321, %dma_start3A_322] : memref<100000x128xf32, #tpu.memory_space<hbm>> -> memref<100000x128xf32, #tpu.memory_space<hbm>>
        tpu.enqueue_indirect_dma source(%dma_start3A_323 : memref<100000x128xf32, #tpu.memory_space<hbm>>) target(%arg9 : memref<128x128xf32, #tpu.memory_space<vmem>>) offsets(%dma_start3A_320 : memref<128xi32, #tpu.memory_space<vmem>>) semaphore(%arg14 : memref<!tpu.dma_semaphore, #tpu.memory_space<semaphore_mem>>)
      } else {
      }
      %mul3A_287 = arith.constant 5 : i32
      %mul3A_288 = arith.muli %scan3A_196, %mul3A_287 : i32
      %add3A_289 = arith.constant 4 : i32
      %add3A_290 = arith.addi %mul3A_288, %add3A_289 : i32
      %dma_wait3A_291 = arith.constant 0 : i32
      %dma_wait3A_292 = tpu.memref_slice %arg6[%add3A_290, %dma_wait3A_291] : memref<50x128xi32, #tpu.memory_space<vmem>> -> memref<1x128xi32, #tpu.memory_space<vmem>>
      %dma_wait3A_293 = tpu.memref_squeeze %dma_wait3A_292 : memref<1x128xi32, #tpu.memory_space<vmem>> -> memref<128xi32, #tpu.memory_space<vmem>>
      %dma_wait3A_294 = arith.constant 0 : i32
      %dma_wait3A_295 = arith.constant 0 : i32
      %dma_wait3A_296 = tpu.memref_slice %arg3[%dma_wait3A_294, %dma_wait3A_295] : memref<100000x128xf32, #tpu.memory_space<hbm>> -> memref<100000x128xf32, #tpu.memory_space<hbm>>
      tpu.wait_indirect_dma semaphore(%arg17 : memref<!tpu.dma_semaphore, #tpu.memory_space<semaphore_mem>>) src(%dma_wait3A_296 : memref<100000x128xf32, #tpu.memory_space<hbm>>) dst(%arg12 : memref<128x128xf32, #tpu.memory_space<vmem>>)
      %dma_start3A_297 = arith.constant 0 : i32
      %dma_start3A_298 = tpu.memref_slice %arg4[%add3A_290, %mul3A_2, %dma_start3A_297] : memref<50x4096x128xf32, #tpu.memory_space<hbm>> -> memref<1x128x128xf32, #tpu.memory_space<hbm>>
      %dma_start3A_299 = tpu.memref_squeeze %dma_start3A_298 : memref<1x128x128xf32, #tpu.memory_space<hbm>> -> memref<128x128xf32, #tpu.memory_space<hbm>>
      %dma_start3A_300 = arith.constant 0 : i32
      %dma_start3A_301 = tpu.memref_slice %arg4[%add3A_290, %mul3A_2, %dma_start3A_300] : memref<50x4096x128xf32, #tpu.memory_space<hbm>> -> memref<1x128x128xf32, #tpu.memory_space<hbm>>
      %dma_start3A_302 = tpu.memref_squeeze %dma_start3A_301 : memref<1x128x128xf32, #tpu.memory_space<hbm>> -> memref<128x128xf32, #tpu.memory_space<hbm>>
      tpu.enqueue_dma source(%arg12 : memref<128x128xf32, #tpu.memory_space<vmem>>) target(%dma_start3A_302 : memref<128x128xf32, #tpu.memory_space<hbm>>) target_semaphore(%arg22 : memref<!tpu.dma_semaphore, #tpu.memory_space<semaphore_mem>>)
      %add3A_303 = arith.constant 3 : i32
      %add3A_304 = arith.addi %add3A_290, %add3A_303 : i32
      %lt3A_305 = arith.constant 50 : i32
      %lt3A_306 = arith.cmpi slt, %add3A_304, %lt3A_305 : i32
      %convert_element_type3A_307 = arith.extui %lt3A_306 : i1 to i32
      %cond3A_308 = arith.constant 0 : i32
      %cond3A_309 = arith.cmpi ne, %convert_element_type3A_307, %cond3A_308 : i32
      scf.if %cond3A_309 {
        %sub3A = arith.constant 5 : i32
        %sub3A_311 = arith.subi %add3A_304, %sub3A : i32
        %dma_wait3A_312 = arith.constant 0 : i32
        %dma_wait3A_313 = tpu.memref_slice %arg4[%sub3A_311, %mul3A_2, %dma_wait3A_312] : memref<50x4096x128xf32, #tpu.memory_space<hbm>> -> memref<1x128x128xf32, #tpu.memory_space<hbm>>
        %dma_wait3A_314 = tpu.memref_squeeze %dma_wait3A_313 : memref<1x128x128xf32, #tpu.memory_space<hbm>> -> memref<128x128xf32, #tpu.memory_space<hbm>>
        %dma_wait3A_315 = arith.constant 0 : i32
        %dma_wait3A_316 = tpu.memref_slice %arg4[%sub3A_311, %mul3A_2, %dma_wait3A_315] : memref<50x4096x128xf32, #tpu.memory_space<hbm>> -> memref<1x128x128xf32, #tpu.memory_space<hbm>>
        %dma_wait3A_317 = tpu.memref_squeeze %dma_wait3A_316 : memref<1x128x128xf32, #tpu.memory_space<hbm>> -> memref<128x128xf32, #tpu.memory_space<hbm>>
        tpu.wait_dma2 semaphore(%arg20 : memref<!tpu.dma_semaphore, #tpu.memory_space<semaphore_mem>>) src(%arg10 : memref<128x128xf32, #tpu.memory_space<vmem>>) dst(%dma_wait3A_317 : memref<128x128xf32, #tpu.memory_space<hbm>>)
        %dma_start3A_318 = arith.constant 0 : i32
        %dma_start3A_319 = tpu.memref_slice %arg6[%add3A_304, %dma_start3A_318] : memref<50x128xi32, #tpu.memory_space<vmem>> -> memref<1x128xi32, #tpu.memory_space<vmem>>
        %dma_start3A_320 = tpu.memref_squeeze %dma_start3A_319 : memref<1x128xi32, #tpu.memory_space<vmem>> -> memref<128xi32, #tpu.memory_space<vmem>>
        %dma_start3A_321 = arith.constant 0 : i32
        %dma_start3A_322 = arith.constant 0 : i32
        %dma_start3A_323 = tpu.memref_slice %arg3[%dma_start3A_321, %dma_start3A_322] : memref<100000x128xf32, #tpu.memory_space<hbm>> -> memref<100000x128xf32, #tpu.memory_space<hbm>>
        tpu.enqueue_indirect_dma source(%dma_start3A_323 : memref<100000x128xf32, #tpu.memory_space<hbm>>) target(%arg10 : memref<128x128xf32, #tpu.memory_space<vmem>>) offsets(%dma_start3A_320 : memref<128xi32, #tpu.memory_space<vmem>>) semaphore(%arg15 : memref<!tpu.dma_semaphore, #tpu.memory_space<semaphore_mem>>)
      } else {
      }
      %scan3A_310 = arith.constant 0 : i32
      scf.yield %scan3A_310 : i32
    }
    %scan3A_153 = arith.constant 9 : i32
    %scan3A_154 = arith.constant 0 : i32
    %scan3A_155 = arith.constant 0 : i32
    %scan3A_156 = arith.constant 50 : i32
    %scan3A_157 = arith.addi %scan3A_155, %scan3A_156 : i32
    %scan3A_158 = arith.constant 1 : i32
    %scan3A_159 = scf.for %scan3A_196 = %scan3A_155 to %scan3A_157 step %scan3A_158 iter_args(%scan3A_197 = %scan3A_154) -> (i32)  : i32 {
      %get3A = arith.index_cast %scan3A_196 : i32 to index
      %get3A_198 = arith.constant 0 : index
      %get3A_199 = tpu.vector_load %arg6[%get3A, %get3A_198] {strides = array<i32>} : memref<50x128xi32, #tpu.memory_space<vmem>>, vector<1x16xi32>,
      %get3A_200 = vector.shape_cast %get3A_199 : vector<1x16xi32> to vector<16xi32>
      %ne3A = arith.constant 0 : i32
      %ne3A_201 = vector.broadcast %ne3A : i32 to vector<16xi32>
      %ne3A_202 = arith.cmpi ne, %get3A_200, %ne3A_201 : vector<16xi32>
      %jit3A = arith.constant 1 : i32
      %jit3A_203 = arith.constant 0 : i32
      %broadcast_in_dim3A = vector.broadcast %jit3A : i32 to vector<16xi32>
      %broadcast_in_dim3A_204 = vector.broadcast %jit3A_203 : i32 to vector<16xi32>
      %select_n3A = arith.select %ne3A_202, %broadcast_in_dim3A, %broadcast_in_dim3A_204 : vector<16xi1>, vector<16xi32>
      %swap3A = arith.index_cast %scan3A_196 : i32 to index
      %swap3A_205 = arith.constant 0 : index
      %swap3A_206 = tpu.vector_load %arg7[%swap3A, %swap3A_205] {strides = array<i32>} : memref<50x128xi32, #tpu.memory_space<vmem>>, vector<1x16xi32>,
      %swap3A_207 = vector.shape_cast %swap3A_206 : vector<1x16xi32> to vector<16xi32>
      %swap3A_208 = vector.shape_cast %select_n3A : vector<16xi32> to vector<1x16xi32>
      tpu.vector_store %arg7[%swap3A, %swap3A_205], %swap3A_208 {strides = array<i32>} : memref<50x128xi32, #tpu.memory_space<vmem>>, vector<1x16xi32>,
      %get3A_209 = arith.index_cast %scan3A_196 : i32 to index
      %get3A_210 = arith.constant 16 : index
      %get3A_211 = tpu.vector_load %arg6[%get3A_209, %get3A_210] {strides = array<i32>} : memref<50x128xi32, #tpu.memory_space<vmem>>, vector<1x16xi32>,
      %get3A_212 = vector.shape_cast %get3A_211 : vector<1x16xi32> to vector<16xi32>
      %ne3A_213 = arith.constant 0 : i32
      %ne3A_214 = vector.broadcast %ne3A_213 : i32 to vector<16xi32>
      %ne3A_215 = arith.cmpi ne, %get3A_212, %ne3A_214 : vector<16xi32>
      %jit3A_216 = arith.constant 1 : i32
      %jit3A_217 = arith.constant 0 : i32
      %broadcast_in_dim3A_218 = vector.broadcast %jit3A_216 : i32 to vector<16xi32>
      %broadcast_in_dim3A_219 = vector.broadcast %jit3A_217 : i32 to vector<16xi32>
      %select_n3A_220 = arith.select %ne3A_215, %broadcast_in_dim3A_218, %broadcast_in_dim3A_219 : vector<16xi1>, vector<16xi32>
      %swap3A_221 = arith.index_cast %scan3A_196 : i32 to index
      %swap3A_222 = arith.constant 16 : index
      %swap3A_223 = tpu.vector_load %arg7[%swap3A_221, %swap3A_222] {strides = array<i32>} : memref<50x128xi32, #tpu.memory_space<vmem>>, vector<1x16xi32>,
      %swap3A_224 = vector.shape_cast %swap3A_223 : vector<1x16xi32> to vector<16xi32>
      %swap3A_225 = vector.shape_cast %select_n3A_220 : vector<16xi32> to vector<1x16xi32>
      tpu.vector_store %arg7[%swap3A_221, %swap3A_222], %swap3A_225 {strides = array<i32>} : memref<50x128xi32, #tpu.memory_space<vmem>>, vector<1x16xi32>,
      %get3A_226 = arith.index_cast %scan3A_196 : i32 to index
      %get3A_227 = arith.constant 32 : index
      %get3A_228 = tpu.vector_load %arg6[%get3A_226, %get3A_227] {strides = array<i32>} : memref<50x128xi32, #tpu.memory_space<vmem>>, vector<1x16xi32>,
      %get3A_229 = vector.shape_cast %get3A_228 : vector<1x16xi32> to vector<16xi32>
      %ne3A_230 = arith.constant 0 : i32
      %ne3A_231 = vector.broadcast %ne3A_230 : i32 to vector<16xi32>
      %ne3A_232 = arith.cmpi ne, %get3A_229, %ne3A_231 : vector<16xi32>
      %jit3A_233 = arith.constant 1 : i32
      %jit3A_234 = arith.constant 0 : i32
      %broadcast_in_dim3A_235 = vector.broadcast %jit3A_233 : i32 to vector<16xi32>
      %broadcast_in_dim3A_236 = vector.broadcast %jit3A_234 : i32 to vector<16xi32>
      %select_n3A_237 = arith.select %ne3A_232, %broadcast_in_dim3A_235, %broadcast_in_dim3A_236 : vector<16xi1>, vector<16xi32>
      %swap3A_238 = arith.index_cast %scan3A_196 : i32 to index
      %swap3A_239 = arith.constant 32 : index
      %swap3A_240 = tpu.vector_load %arg7[%swap3A_238, %swap3A_239] {strides = array<i32>} : memref<50x128xi32, #tpu.memory_space<vmem>>, vector<1x16xi32>,
      %swap3A_241 = vector.shape_cast %swap3A_240 : vector<1x16xi32> to vector<16xi32>
      %swap3A_242 = vector.shape_cast %select_n3A_237 : vector<16xi32> to vector<1x16xi32>
      tpu.vector_store %arg7[%swap3A_238, %swap3A_239], %swap3A_242 {strides = array<i32>} : memref<50x128xi32, #tpu.memory_space<vmem>>, vector<1x16xi32>,
      %get3A_243 = arith.index_cast %scan3A_196 : i32 to index
      %get3A_244 = arith.constant 48 : index
      %get3A_245 = tpu.vector_load %arg6[%get3A_243, %get3A_244] {strides = array<i32>} : memref<50x128xi32, #tpu.memory_space<vmem>>, vector<1x16xi32>,
      %get3A_246 = vector.shape_cast %get3A_245 : vector<1x16xi32> to vector<16xi32>
      %ne3A_247 = arith.constant 0 : i32
      %ne3A_248 = vector.broadcast %ne3A_247 : i32 to vector<16xi32>
      %ne3A_249 = arith.cmpi ne, %get3A_246, %ne3A_248 : vector<16xi32>
      %jit3A_250 = arith.constant 1 : i32
      %jit3A_251 = arith.constant 0 : i32
      %broadcast_in_dim3A_252 = vector.broadcast %jit3A_250 : i32 to vector<16xi32>
      %broadcast_in_dim3A_253 = vector.broadcast %jit3A_251 : i32 to vector<16xi32>
      %select_n3A_254 = arith.select %ne3A_249, %broadcast_in_dim3A_252, %broadcast_in_dim3A_253 : vector<16xi1>, vector<16xi32>
      %swap3A_255 = arith.index_cast %scan3A_196 : i32 to index
      %swap3A_256 = arith.constant 48 : index
      %swap3A_257 = tpu.vector_load %arg7[%swap3A_255, %swap3A_256] {strides = array<i32>} : memref<50x128xi32, #tpu.memory_space<vmem>>, vector<1x16xi32>,
      %swap3A_258 = vector.shape_cast %swap3A_257 : vector<1x16xi32> to vector<16xi32>
      %swap3A_259 = vector.shape_cast %select_n3A_254 : vector<16xi32> to vector<1x16xi32>
      tpu.vector_store %arg7[%swap3A_255, %swap3A_256], %swap3A_259 {strides = array<i32>} : memref<50x128xi32, #tpu.memory_space<vmem>>, vector<1x16xi32>,
      %get3A_260 = arith.index_cast %scan3A_196 : i32 to index
      %get3A_261 = arith.constant 64 : index
      %get3A_262 = tpu.vector_load %arg6[%get3A_260, %get3A_261] {strides = array<i32>} : memref<50x128xi32, #tpu.memory_space<vmem>>, vector<1x16xi32>,
      %get3A_263 = vector.shape_cast %get3A_262 : vector<1x16xi32> to vector<16xi32>
      %ne3A_264 = arith.constant 0 : i32
      %ne3A_265 = vector.broadcast %ne3A_264 : i32 to vector<16xi32>
      %ne3A_266 = arith.cmpi ne, %get3A_263, %ne3A_265 : vector<16xi32>
      %jit3A_267 = arith.constant 1 : i32
      %jit3A_268 = arith.constant 0 : i32
      %broadcast_in_dim3A_269 = vector.broadcast %jit3A_267 : i32 to vector<16xi32>
      %broadcast_in_dim3A_270 = vector.broadcast %jit3A_268 : i32 to vector<16xi32>
      %select_n3A_271 = arith.select %ne3A_266, %broadcast_in_dim3A_269, %broadcast_in_dim3A_270 : vector<16xi1>, vector<16xi32>
      %swap3A_272 = arith.index_cast %scan3A_196 : i32 to index
      %swap3A_273 = arith.constant 64 : index
      %swap3A_274 = tpu.vector_load %arg7[%swap3A_272, %swap3A_273] {strides = array<i32>} : memref<50x128xi32, #tpu.memory_space<vmem>>, vector<1x16xi32>,
      %swap3A_275 = vector.shape_cast %swap3A_274 : vector<1x16xi32> to vector<16xi32>
      %swap3A_276 = vector.shape_cast %select_n3A_271 : vector<16xi32> to vector<1x16xi32>
      tpu.vector_store %arg7[%swap3A_272, %swap3A_273], %swap3A_276 {strides = array<i32>} : memref<50x128xi32, #tpu.memory_space<vmem>>, vector<1x16xi32>,
      %get3A_277 = arith.index_cast %scan3A_196 : i32 to index
      %get3A_278 = arith.constant 80 : index
      %get3A_279 = tpu.vector_load %arg6[%get3A_277, %get3A_278] {strides = array<i32>} : memref<50x128xi32, #tpu.memory_space<vmem>>, vector<1x16xi32>,
      %get3A_280 = vector.shape_cast %get3A_279 : vector<1x16xi32> to vector<16xi32>
      %ne3A_281 = arith.constant 0 : i32
      %ne3A_282 = vector.broadcast %ne3A_281 : i32 to vector<16xi32>
      %ne3A_283 = arith.cmpi ne, %get3A_280, %ne3A_282 : vector<16xi32>
      %jit3A_284 = arith.constant 1 : i32
      %jit3A_285 = arith.constant 0 : i32
      %broadcast_in_dim3A_286 = vector.broadcast %jit3A_284 : i32 to vector<16xi32>
      %broadcast_in_dim3A_287 = vector.broadcast %jit3A_285 : i32 to vector<16xi32>
      %select_n3A_288 = arith.select %ne3A_283, %broadcast_in_dim3A_286, %broadcast_in_dim3A_287 : vector<16xi1>, vector<16xi32>
      %swap3A_289 = arith.index_cast %scan3A_196 : i32 to index
      %swap3A_290 = arith.constant 80 : index
      %swap3A_291 = tpu.vector_load %arg7[%swap3A_289, %swap3A_290] {strides = array<i32>} : memref<50x128xi32, #tpu.memory_space<vmem>>, vector<1x16xi32>,
      %swap3A_292 = vector.shape_cast %swap3A_291 : vector<1x16xi32> to vector<16xi32>
      %swap3A_293 = vector.shape_cast %select_n3A_288 : vector<16xi32> to vector<1x16xi32>
      tpu.vector_store %arg7[%swap3A_289, %swap3A_290], %swap3A_293 {strides = array<i32>} : memref<50x128xi32, #tpu.memory_space<vmem>>, vector<1x16xi32>,
      %get3A_294 = arith.index_cast %scan3A_196 : i32 to index
      %get3A_295 = arith.constant 96 : index
      %get3A_296 = tpu.vector_load %arg6[%get3A_294, %get3A_295] {strides = array<i32>} : memref<50x128xi32, #tpu.memory_space<vmem>>, vector<1x16xi32>,
      %get3A_297 = vector.shape_cast %get3A_296 : vector<1x16xi32> to vector<16xi32>
      %ne3A_298 = arith.constant 0 : i32
      %ne3A_299 = vector.broadcast %ne3A_298 : i32 to vector<16xi32>
      %ne3A_300 = arith.cmpi ne, %get3A_297, %ne3A_299 : vector<16xi32>
      %jit3A_301 = arith.constant 1 : i32
      %jit3A_302 = arith.constant 0 : i32
      %broadcast_in_dim3A_303 = vector.broadcast %jit3A_301 : i32 to vector<16xi32>
      %broadcast_in_dim3A_304 = vector.broadcast %jit3A_302 : i32 to vector<16xi32>
      %select_n3A_305 = arith.select %ne3A_300, %broadcast_in_dim3A_303, %broadcast_in_dim3A_304 : vector<16xi1>, vector<16xi32>
      %swap3A_306 = arith.index_cast %scan3A_196 : i32 to index
      %swap3A_307 = arith.constant 96 : index
      %swap3A_308 = tpu.vector_load %arg7[%swap3A_306, %swap3A_307] {strides = array<i32>} : memref<50x128xi32, #tpu.memory_space<vmem>>, vector<1x16xi32>,
      %swap3A_309 = vector.shape_cast %swap3A_308 : vector<1x16xi32> to vector<16xi32>
      %swap3A_310 = vector.shape_cast %select_n3A_305 : vector<16xi32> to vector<1x16xi32>
      tpu.vector_store %arg7[%swap3A_306, %swap3A_307], %swap3A_310 {strides = array<i32>} : memref<50x128xi32, #tpu.memory_space<vmem>>, vector<1x16xi32>,
      %get3A_311 = arith.index_cast %scan3A_196 : i32 to index
      %get3A_312 = arith.constant 112 : index
      %get3A_313 = tpu.vector_load %arg6[%get3A_311, %get3A_312] {strides = array<i32>} : memref<50x128xi32, #tpu.memory_space<vmem>>, vector<1x16xi32>,
      %get3A_314 = vector.shape_cast %get3A_313 : vector<1x16xi32> to vector<16xi32>
      %ne3A_315 = arith.constant 0 : i32
      %ne3A_316 = vector.broadcast %ne3A_315 : i32 to vector<16xi32>
      %ne3A_317 = arith.cmpi ne, %get3A_314, %ne3A_316 : vector<16xi32>
      %jit3A_318 = arith.constant 1 : i32
      %jit3A_319 = arith.constant 0 : i32
      %broadcast_in_dim3A_320 = vector.broadcast %jit3A_318 : i32 to vector<16xi32>
      %broadcast_in_dim3A_321 = vector.broadcast %jit3A_319 : i32 to vector<16xi32>
      %select_n3A_322 = arith.select %ne3A_317, %broadcast_in_dim3A_320, %broadcast_in_dim3A_321 : vector<16xi1>, vector<16xi32>
      %swap3A_323 = arith.index_cast %scan3A_196 : i32 to index
      %swap3A_324 = arith.constant 112 : index
      %swap3A_325 = tpu.vector_load %arg7[%swap3A_323, %swap3A_324] {strides = array<i32>} : memref<50x128xi32, #tpu.memory_space<vmem>>, vector<1x16xi32>,
      %swap3A_326 = vector.shape_cast %swap3A_325 : vector<1x16xi32> to vector<16xi32>
      %swap3A_327 = vector.shape_cast %select_n3A_322 : vector<16xi32> to vector<1x16xi32>
      tpu.vector_store %arg7[%swap3A_323, %swap3A_324], %swap3A_327 {strides = array<i32>} : memref<50x128xi32, #tpu.memory_space<vmem>>, vector<1x16xi32>,
      %scan3A_328 = arith.constant 0 : i32
      scf.yield %scan3A_328 : i32
    }
    %scan3A_160 = arith.constant 50 : i32
    "tpu.region"() ({
      %run_scoped3A = tpu.sem_alloc : memref<!tpu.dma_semaphore, #tpu.memory_space<semaphore_mem>>
      %dma_start3A_196 = arith.constant 0 : i32
      %dma_start3A_197 = tpu.memref_slice %arg5[%dma_start3A_196, %mul3A_2] : memref<50x4096xi32, #tpu.memory_space<hbm>> -> memref<50x128xi32, #tpu.memory_space<hbm>>
      %dma_start3A_198 = arith.constant 0 : i32
      %dma_start3A_199 = tpu.memref_slice %arg5[%dma_start3A_198, %mul3A_2] : memref<50x4096xi32, #tpu.memory_space<hbm>> -> memref<50x128xi32, #tpu.memory_space<hbm>>
      tpu.enqueue_dma source(%arg7 : memref<50x128xi32, #tpu.memory_space<vmem>>) target(%dma_start3A_199 : memref<50x128xi32, #tpu.memory_space<hbm>>) target_semaphore(%run_scoped3A : memref<!tpu.dma_semaphore, #tpu.memory_space<semaphore_mem>>)
      %dma_wait3A_200 = arith.constant 0 : i32
      %dma_wait3A_201 = tpu.memref_slice %arg5[%dma_wait3A_200, %mul3A_2] : memref<50x4096xi32, #tpu.memory_space<hbm>> -> memref<50x128xi32, #tpu.memory_space<hbm>>
      %dma_wait3A_202 = arith.constant 0 : i32
      %dma_wait3A_203 = tpu.memref_slice %arg5[%dma_wait3A_202, %mul3A_2] : memref<50x4096xi32, #tpu.memory_space<hbm>> -> memref<50x128xi32, #tpu.memory_space<hbm>>
      tpu.wait_dma2 semaphore(%run_scoped3A : memref<!tpu.dma_semaphore, #tpu.memory_space<semaphore_mem>>) src(%arg7 : memref<50x128xi32, #tpu.memory_space<vmem>>) dst(%dma_wait3A_203 : memref<50x128xi32, #tpu.memory_space<hbm>>)
      tpu.yield
    }) : () -> ()
    %dma_wait3A_161 = arith.constant 45 : i32
    %dma_wait3A_162 = arith.constant 0 : i32
    %dma_wait3A_163 = tpu.memref_slice %arg4[%dma_wait3A_161, %mul3A_2, %dma_wait3A_162] : memref<50x4096x128xf32, #tpu.memory_space<hbm>> -> memref<1x128x128xf32, #tpu.memory_space<hbm>>
    %dma_wait3A_164 = tpu.memref_squeeze %dma_wait3A_163 : memref<1x128x128xf32, #tpu.memory_space<hbm>> -> memref<128x128xf32, #tpu.memory_space<hbm>>
    %dma_wait3A_165 = arith.constant 0 : i32
    %dma_wait3A_166 = tpu.memref_slice %arg4[%dma_wait3A_161, %mul3A_2, %dma_wait3A_165] : memref<50x4096x128xf32, #tpu.memory_space<hbm>> -> memref<1x128x128xf32, #tpu.memory_space<hbm>>
    %dma_wait3A_167 = tpu.memref_squeeze %dma_wait3A_166 : memref<1x128x128xf32, #tpu.memory_space<hbm>> -> memref<128x128xf32, #tpu.memory_space<hbm>>
    tpu.wait_dma2 semaphore(%arg18 : memref<!tpu.dma_semaphore, #tpu.memory_space<semaphore_mem>>) src(%arg8 : memref<128x128xf32, #tpu.memory_space<vmem>>) dst(%dma_wait3A_167 : memref<128x128xf32, #tpu.memory_space<hbm>>)
    %dma_wait3A_168 = arith.constant 46 : i32
    %dma_wait3A_169 = arith.constant 0 : i32
    %dma_wait3A_170 = tpu.memref_slice %arg4[%dma_wait3A_168, %mul3A_2, %dma_wait3A_169] : memref<50x4096x128xf32, #tpu.memory_space<hbm>> -> memref<1x128x128xf32, #tpu.memory_space<hbm>>
    %dma_wait3A_171 = tpu.memref_squeeze %dma_wait3A_170 : memref<1x128x128xf32, #tpu.memory_space<hbm>> -> memref<128x128xf32, #tpu.memory_space<hbm>>
    %dma_wait3A_172 = arith.constant 0 : i32
    %dma_wait3A_173 = tpu.memref_slice %arg4[%dma_wait3A_168, %mul3A_2, %dma_wait3A_172] : memref<50x4096x128xf32, #tpu.memory_space<hbm>> -> memref<1x128x128xf32, #tpu.memory_space<hbm>>
    %dma_wait3A_174 = tpu.memref_squeeze %dma_wait3A_173 : memref<1x128x128xf32, #tpu.memory_space<hbm>> -> memref<128x128xf32, #tpu.memory_space<hbm>>
    tpu.wait_dma2 semaphore(%arg19 : memref<!tpu.dma_semaphore, #tpu.memory_space<semaphore_mem>>) src(%arg9 : memref<128x128xf32, #tpu.memory_space<vmem>>) dst(%dma_wait3A_174 : memref<128x128xf32, #tpu.memory_space<hbm>>)
    %dma_wait3A_175 = arith.constant 47 : i32
    %dma_wait3A_176 = arith.constant 0 : i32
    %dma_wait3A_177 = tpu.memref_slice %arg4[%dma_wait3A_175, %mul3A_2, %dma_wait3A_176] : memref<50x4096x128xf32, #tpu.memory_space<hbm>> -> memref<1x128x128xf32, #tpu.memory_space<hbm>>
    %dma_wait3A_178 = tpu.memref_squeeze %dma_wait3A_177 : memref<1x128x128xf32, #tpu.memory_space<hbm>> -> memref<128x128xf32, #tpu.memory_space<hbm>>
    %dma_wait3A_179 = arith.constant 0 : i32
    %dma_wait3A_180 = tpu.memref_slice %arg4[%dma_wait3A_175, %mul3A_2, %dma_wait3A_179] : memref<50x4096x128xf32, #tpu.memory_space<hbm>> -> memref<1x128x128xf32, #tpu.memory_space<hbm>>
    %dma_wait3A_181 = tpu.memref_squeeze %dma_wait3A_180 : memref<1x128x128xf32, #tpu.memory_space<hbm>> -> memref<128x128xf32, #tpu.memory_space<hbm>>
    tpu.wait_dma2 semaphore(%arg20 : memref<!tpu.dma_semaphore, #tpu.memory_space<semaphore_mem>>) src(%arg10 : memref<128x128xf32, #tpu.memory_space<vmem>>) dst(%dma_wait3A_181 : memref<128x128xf32, #tpu.memory_space<hbm>>)
    %dma_wait3A_182 = arith.constant 48 : i32
    %dma_wait3A_183 = arith.constant 0 : i32
    %dma_wait3A_184 = tpu.memref_slice %arg4[%dma_wait3A_182, %mul3A_2, %dma_wait3A_183] : memref<50x4096x128xf32, #tpu.memory_space<hbm>> -> memref<1x128x128xf32, #tpu.memory_space<hbm>>
    %dma_wait3A_185 = tpu.memref_squeeze %dma_wait3A_184 : memref<1x128x128xf32, #tpu.memory_space<hbm>> -> memref<128x128xf32, #tpu.memory_space<hbm>>
    %dma_wait3A_186 = arith.constant 0 : i32
    %dma_wait3A_187 = tpu.memref_slice %arg4[%dma_wait3A_182, %mul3A_2, %dma_wait3A_186] : memref<50x4096x128xf32, #tpu.memory_space<hbm>> -> memref<1x128x128xf32, #tpu.memory_space<hbm>>
    %dma_wait3A_188 = tpu.memref_squeeze %dma_wait3A_187 : memref<1x128x128xf32, #tpu.memory_space<hbm>> -> memref<128x128xf32, #tpu.memory_space<hbm>>
    tpu.wait_dma2 semaphore(%arg21 : memref<!tpu.dma_semaphore, #tpu.memory_space<semaphore_mem>>) src(%arg11 : memref<128x128xf32, #tpu.memory_space<vmem>>) dst(%dma_wait3A_188 : memref<128x128xf32, #tpu.memory_space<hbm>>)
    %dma_wait3A_189 = arith.constant 49 : i32
    %dma_wait3A_190 = arith.constant 0 : i32
    %dma_wait3A_191 = tpu.memref_slice %arg4[%dma_wait3A_189, %mul3A_2, %dma_wait3A_190] : memref<50x4096x128xf32, #tpu.memory_space<hbm>> -> memref<1x128x128xf32, #tpu.memory_space<hbm>>
    %dma_wait3A_192 = tpu.memref_squeeze %dma_wait3A_191 : memref<1x128x128xf32, #tpu.memory_space<hbm>> -> memref<128x128xf32, #tpu.memory_space<hbm>>
    %dma_wait3A_193 = arith.constant 0 : i32
    %dma_wait3A_194 = tpu.memref_slice %arg4[%dma_wait3A_189, %mul3A_2, %dma_wait3A_193] : memref<50x4096x128xf32, #tpu.memory_space<hbm>> -> memref<1x128x128xf32, #tpu.memory_space<hbm>>
    %dma_wait3A_195 = tpu.memref_squeeze %dma_wait3A_194 : memref<1x128x128xf32, #tpu.memory_space<hbm>> -> memref<128x128xf32, #tpu.memory_space<hbm>>
    tpu.wait_dma2 semaphore(%arg22 : memref<!tpu.dma_semaphore, #tpu.memory_space<semaphore_mem>>) src(%arg12 : memref<128x128xf32, #tpu.memory_space<vmem>>) dst(%dma_wait3A_195 : memref<128x128xf32, #tpu.memory_space<hbm>>)
    return
  }
}

</mosaic_0001>

<sc_bundles>
// kernel: kernel.3.cloned.1.call-start
scs
__scs_entry_jumppad:
0x0: {  	(pc) =	sbr.rel $0x88, $3  }
0x1: {  	(tag) =	ssettag $0x0;
	lr =	simm.s32 $0x1  }
0x2: {  	[smem:$0x3F9F] =	sst lr;
	_ =	strace $0xD0000000  }
0x3: {  	_ = 	snop  }
0x4: {  	_ = 	snop  }
0x5: {  	_ = 	snop  }
0x6: {  	_ = 	snop  }
0x7: {  	_ = 	snop  }
__scs_overlays_trampoline_lowered:
0x8: {  	[smem:$0x3FAE] =	sst s0  }
0x9: {  	[smem:$0x3FAF] =	sst s1  }
0xa: {  	[smem:$0x3FB0] =	sst s2  }
0xb: {  	[smem:$0x3FB1] =	sst s3  }
0xc: {  	[smem:$0x3FB2] =	sst s4  }
0xd: {  	[smem:$0x3FB3] =	sst s5  }
0xe: {  	[smem:$0x3FB4] =	sst s6  }
0xf: {  	[smem:$0x3FB5] =	sst s7  }
0x10: {  	[smem:$0x3FB6] =	sst s8  }
0x11: {  	[smem:$0x3FB7] =	sst s9;
	s0 =	simm.s32 @!p0 $0x0  }
0x12: {  	s1 =	sld [smem:$0x3F9D];
	s0 =	simm.s32 @p0 $0x1  }
0x13: {  	[smem:$0x3FB8] =	sst s0;
	s0 =	simm.s32 @!p1 $0x0  }
0x14: {  	s2 =	sld [smem:$0x3F9C];
	s0 =	simm.s32 @p1 $0x1  }
0x15: {  	[smem:$0x3FB9] =	sst s0;
	s0 =	simm.s32 @!p2 $0x0  }
0x16: {  	s3 =	sld [smem:$0x3FDB];
	s0 =	simm.s32 @p2 $0x1  }
0x17: {  	s4 =	simm.s32 $0x1BF5;
	[smem:$0x3FBB] =	sst s0  }
0x18: {  	s0 =	sld [smem:$0x3F9E];
	_ =	swait.ge [sflag:s4], $0x0  }
0x19: {  	s7 =	sld [smem:$0x3F9F]  }
0x1a: {  	s8 =	sadd.s32 $0xFFFFE003, lr  }
0x1b: {  	s9 =	sadd.s32 $0xFFFFFEF7, lr;
	s5 =	simm.s32 $0xFFFFFFFF;
	p2 =	slt.u32 s8, $0xFFFFF086  }
0x1c: {  	p1 =	slt.u32 s9, $0xF7A;
	s5 =	simm.s32 @!p2 $0x0  }
0x1d: {  	s5 =	simm.s32 @p1 $0x1;
	p0 =	seq.s32 s7, s2  }
0x1e: {  	s7 =	smul.u32 @!p0 $0xF7A, s2;
	p2 =	seq.s32 @!p0 s5, $0x0  }
0x1f: {  	s9 =	smul.u32 $0xF7A, s1;
	s8 =	simm.s32 @!p0 $0x1BF5;
	p2 =	por !p2, p0  }
0x20: {  	[sflag:s8] =	ssyncset.s32 @!p0 $0xFFFFF086;
	s6 =	sadd.s32 @!p0 s3, s7;
	s7 =	simm.s32 @!p0 $0x108  }
0x21: {  	s3 =	sadd.s32 s3, s9;
	s6 =	sadd.s32 @!p0 $0x88, s6;
	s7 =	simm.s32 @p2 $0x1082  }
0x22: {  	[simem:s7], [sflag:s8] =	dma.local @!p0 [hbm:s6], $0xF7A  }
0x23: {  	s9 =	sor.u32 $0xD0000000, s2;
	s6 =	simm.s32 $0x108;
	_ =	swait.ge @!p0 [sflag:s8], $0x0  }
0x24: {  	s3 =	sadd.s32 $0x88, s3;
	s6 =	simm.s32 @!p1 $0x1082;
	[sflag:s4] =	ssyncset.s32 $0xFFFFF086  }
0x25: {  	[simem:s6], [sflag:s4] =	dma.local [hbm:s3], $0xF7A  }
0x26: {  	[smem:$0x3F9F] =	sst s1;
	(tag) =	ssettag s2;
	_ =	strace s9  }
0x27: {  	s1 =	sld [smem:$0x3FAF]  }
0x28: {  	s2 =	sld [smem:$0x3FB0]  }
0x29: {  	s4 =	sld [smem:$0x3FB2]  }
0x2a: {  	p0 =	seq.s32 s5, $0x0;
	s5 =	sld [smem:$0x3FB3]  }
0x2b: {  	s6 =	sld [smem:$0x3FB4]  }
0x2c: {  	s7 =	sld [smem:$0x3FB5]  }
0x2d: {  	s3 =	simm.s32 $0x108;
	s8 =	sld [smem:$0x3FB6]  }
0x2e: {  	s3 =	simm.s32 @!p0 $0x1082;
	s9 =	sld [smem:$0x3FB7]  }
0x2f: {  	lr =	sadd.s32 s0, s3;
	s0 =	sld [smem:$0x3FAE]  }
0x30: {  	s3 =	sld [smem:$0x3FB1]  }
0x31: {  	[smem:$0x3FBA] =	sst s10  }
0x32: {  	s10 =	sld [smem:$0x3FB8];
	_ =	sdelay $0x3  }
0x33: {  	p0 =	seq.s32 s10, $0x1;
	s10 =	sld [smem:$0x3FBA];
	_ =	sdelay $0x3  }
0x34: {  	[smem:$0x3FBA] =	sst s10  }
0x35: {  	s10 =	sld [smem:$0x3FB9];
	_ =	sdelay $0x3  }
0x36: {  	p1 =	seq.s32 s10, $0x1;
	s10 =	sld [smem:$0x3FBA];
	_ =	sdelay $0x3  }
0x37: {  	[smem:$0x3FBA] =	sst s10  }
0x38: {  	s10 =	sld [smem:$0x3FBB]  }
0x39: {  	_ = 	snop;
	(pc) =	sbr.ind lr, $3  }
0x3a: {  	_ = 	snop  }
0x3b: {  	_ = 	snop  }
0x3c: {  	p2 =	seq.s32 s10, $0x1;
	s10 =	sld [smem:$0x3FBA]  }
0x3d: {  	_ =	shalt  }
0x3e: {  	_ =	shalt  }
0x3f: {  	_ =	shalt  }
0x40: {  	_ =	shalt  }
0x41: {  	_ =	shalt  }
0x42: {  	_ =	shalt  }
0x43: {  	_ =	shalt  }
0x44: {  	_ =	shalt  }
0x45: {  	_ =	shalt  }
0x46: {  	_ =	shalt  }
0x47: {  	_ =	shalt  }
0x48: {  	_ =	shalt  }
0x49: {  	_ =	shalt  }
0x4a: {  	_ =	shalt  }
0x4b: {  	_ =	shalt  }
0x4c: {  	_ =	shalt  }
0x4d: {  	_ =	shalt  }
0x4e: {  	_ =	shalt  }
0x4f: {  	_ =	shalt  }
0x50: {  	_ =	shalt  }
0x51: {  	_ =	shalt  }
0x52: {  	_ =	shalt  }
0x53: {  	_ =	shalt  }
0x54: {  	_ =	shalt  }
0x55: {  	_ =	shalt  }
0x56: {  	_ =	shalt  }
0x57: {  	_ =	shalt  }
0x58: {  	_ =	shalt  }
0x59: {  	_ =	shalt  }
0x5a: {  	_ =	shalt  }
0x5b: {  	_ =	shalt  }
0x5c: {  	_ =	shalt  }
0x5d: {  	_ =	shalt  }
0x5e: {  	_ =	shalt  }
0x5f: {  	_ =	shalt  }
0x60: {  	_ =	shalt  }
0x61: {  	_ =	shalt  }
0x62: {  	_ =	shalt  }
0x63: {  	_ =	shalt  }
0x64: {  	_ =	shalt  }
0x65: {  	_ =	shalt  }
0x66: {  	_ =	shalt  }
0x67: {  	_ =	shalt  }
0x68: {  	_ =	shalt  }
0x69: {  	_ =	shalt  }
0x6a: {  	_ =	shalt  }
0x6b: {  	_ =	shalt  }
0x6c: {  	_ =	shalt  }
0x6d: {  	_ =	shalt  }
0x6e: {  	_ =	shalt  }
0x6f: {  	_ =	shalt  }
0x70: {  	_ =	shalt  }
0x71: {  	_ =	shalt  }
0x72: {  	_ =	shalt  }
0x73: {  	_ =	shalt  }
0x74: {  	_ =	shalt  }
0x75: {  	_ =	shalt  }
0x76: {  	_ =	shalt  }
0x77: {  	_ =	shalt  }
0x78: {  	_ =	shalt  }
0x79: {  	_ =	shalt  }
0x7a: {  	_ =	shalt  }
0x7b: {  	_ =	shalt  }
0x7c: {  	_ =	shalt  }
0x7d: {  	_ =	shalt  }
0x7e: {  	_ =	shalt  }
0x7f: {  	_ =	shalt  }
0x80: {  	_ =	shalt  }
0x81: {  	_ =	shalt  }
0x82: {  	_ =	shalt  }
0x83: {  	_ =	shalt  }
0x84: {  	_ =	shalt  }
0x85: {  	_ =	shalt  }
0x86: {  	_ =	shalt  }
0x87: {  	_ =	shalt  }
.Lfunc_end0:
.L_simem_size_0:
called_computation_lowered:
.L_overlay_start_0:
0x88: {  	s2 =	sld [smem:$0x3FD9]  }
0x89: {  	s3 =	sld [smem:$0x3FFE];
	_ =	sdelay $0x1  }
0x8a: {  	s1 =	srdreg.scid  }
0x8b: {  	s0 =	sand.u32 $0x1, s1  }
0x8c: {  	s15 =	sshll.u32 s0, $0xA;
	s2 =	sadd.s32 s3, s2  }
0x8d: {  	s2 =	sadd.s32 s2, s15  }
0x8e: {  	[smem:$0x3FC6] =	sst s2  }
0x8f: {  	_ = 	snop  }
0x90: {  	s2 =	sld [smem:$0x3FD0];
	_ =	sdelay $0x1  }
0x91: {  	s16 =	sld [smem:$0x3FC9]  }
0x92: {  	s5 =	simm.s32 $0xA;
	s6 =	simm.s32 $0x10;
	s4 =	sld [smem:$0x3FC8]  }
0x93: {  	[smem:s6], [sflag:s5] =	dma.local [hbm:s2], $0x1  }
0x94: {  	_ =	swait.eq [sflag:s5], $0x1  }
0x95: {  	[sflag:s5] =	ssyncset.done $0x0  }
0x96: {  	s17 =	sld [smem:$0x10];
	[sflag:s5] =	ssyncadd.s32 $0xFFFFFFFF  }
0x97: {  	s18 =	sld [smem:$0x11];
	(tm) =	ssettm $0x1  }
0x98: {  	s19 =	sld [smem:$0x3FFB];
	_ =	sdelay $0x3  }
0x99: {  	_ =	strace s19  }
0x9a: {  	s6 =	sld [smem:$0x3FFC];
	_ =	sdelay $0x3  }
0x9b: {  	_ =	strace s6  }
0x9c: {  	s6 =	sld [smem:$0x3FFD];
	_ =	sdelay $0x3  }
0x9d: {  	_ =	strace s6  }
0x9e: {  	_ =	strace $0x8FFFFFFF  }
0x9f: {  	s20 =	sld [smem:$0x3FDB];
	_ =	sdelay $0x1  }
0xa0: {  	s7 =	simm.s32 $_scs_section_size  }
0xa1: {  	s8 =	simm.s32 $_size__tile_overlayer_lowered;
	s9 =	simm.s32 $_tile_overlayer_lowered  }
0xa2: {  	s23 =	simm.s32 $0x1BFF;
	s22 =	sshll.u32 s9, $0x1;
	s6 =	sadd.s32 s7, s20  }
0xa3: {  	s10 =	simm.s32 $0x0;
	s21 =	sshll.u32 s8, $0x1;
	s8 =	sadd.s32 s22, s6  }
0xa4: {  	[timem:s10], [sflag:s23] =	dma.local [hbm:s8], s21  }
0xa5: {  	_ =	swait.ge [sflag:s23], s21  }
0xa6: {  	s7 =	ssub.s32 $0x0, s21;
	[sflag:s23] =	ssyncset.done $0x0  }
0xa7: {  	[sflag:s23] =	ssyncadd.s32 s7;
	_ =	sdelay $0x1  }
0xa8: {  	s24 =	simm.s32 $0x1B8B  }
0xa9: {  	_ =	swait.ge [sflag:s24], $0x1  }
0xaa: {  	[sflag:s24] =	ssyncset.done $0x0  }
0xab: {  	s25 =	simm.s32 $0x1B8E;
	[sflag:s24] =	ssyncadd.s32 $0xFFFFFFFF  }
0xac: {  	s26 =	simm.s32 $execute0_lowered;
	[smem:$0x3FD2] =	sst s25  }
0xad: {  	s7 =	sshll.u32 s26, $0x1;
	_ =	strace $0x80000046;
	[dreg:$0x1] =	wrdreg $0xFFFFFFFF  }
0xae: {  	s28 =	simm.s32 $_size_execute0_lowered;
	s6 =	sadd.s32 s6, s7;
	[dreg:$0x0] =	wrdreg $0x0  }
0xaf: {  	s7 =	sshll.u32 s28, $0x1;
	[dreg:$0x2] =	wrdreg s6  }
0xb0: {  	[dreg:$0x3] =	wrdreg s7  }
0xb1: {  	[dreg:$0x4] =	wrdreg $0xC0  }
0xb2: {  	_ =	task [dreg:s10], $0x5FFFF  }
0xb3: {  	[dreg:$0x1] =	wrdreg $0xFFFFFFFF  }
0xb4: {  	[dreg:$0x0] =	wrdreg $0x60  }
0xb5: {  	[dreg:$0x2] =	wrdreg s16  }
0xb6: {  	[dreg:$0x3] =	wrdreg s4  }
0xb7: {  	[dreg:$0x4] =	wrdreg s17  }
0xb8: {  	[dreg:$0x5] =	wrdreg s18  }
0xb9: {  	[dreg:$0x6] =	wrdreg $0x9  }
0xba: {  	_ =	task.clear_ibuf [dreg:s10], $0x7FFFF;
	_ =	strace $0x90000046  }
0xbb: {  	s29 =	simm.s32 $0x9;
	_ =	strace $0x80000048  }
0xbc: {  	_ =	swait.ge [sflag:s29], $0x1  }
0xbd: {  	[sflag:s29] =	ssyncadd.s32 $0xFFFFFFFF  }
0xbe: {  	_ =	strace $0x90000048  }
0xbf: {  	_ =	sfence  }
0xc0: {  	s30 =	sld [smem:$0x0];
	_ =	sdelay $0x2  }
0xc1: {  	s31 =	sshll.u32 s1, $0xD;
	s1 =	sshrl.u32 s1, $0x2  }
0xc2: {  	s3 =	sand.u32 $0x4000, s31;
	s1 =	sadd.s32 s1, s30  }
0xc3: {  	s0 =	sor.u32 s3, s0;
	s1 =	sshll.u32 s1, $0x11  }
0xc4: {  	s0 =	sor.u32 s1, s0  }
0xc5: {  	s0 =	sadd.s32 $0x8F2B, s0  }
0xc6: {  	[sflag:s0] =	ssyncadd.remote.s32 $0x1  }
0xc7: {  	_ =	sfence.sel $0xFFFF  }
0xc8: {  	[dreg:$0x0] =	wrdreg $0xFFFFFFFF;
	(pc) =	sbr.abs _section_cstart, $3  }
0xc9: {  	[dreg:$0x1] =	wrdreg $0xFFFFFFFF  }
0xca: {  	_ =	task.clear_ibuf [dreg:s10], $0x2FFFF;
	_ =	strace $0x9FFFFFFF  }
0xcb: {  	(tm) =	ssettm $0x7FFFFFFF  }
tec
execute0_lowered:
.L_overlay_start_1:
0x0: {  	(tag) =	ssettag $0x1  }
0x1: {  	s0 =	rddreg [dreg:$0x0]  }
0x2: {  	s1 =	rddreg [dreg:$0x1]  }
0x3: {  	s2 =	rddreg [dreg:$0x2]  }
0x4: {  	s3 =	rddreg [dreg:$0x3]  }
0x5: {  	s5 =	srdreg.scid;
	s4 =	simm.s32 $0x0;
	s9 =	stileid.u32  }
0x6: {  	s28 =	simm.s32 $0xB800;
	s29 =	simm.s32 $0x1;
	s31 =	simm.s32 $0xF800  }
0x7: {  	s30 =	simm.s32 $0x6;
	s5 =	sand.u32 $0x1, s5;
	[smem:$0x7FF] =	sst s4  }
0x8: {  	s6 =	sshll.u32 s9, $0x8;
	s14 =	sshll.u32 s9, $0xF;
	s7 =	sshll.u32 s5, $0x7  }
0x9: {  	s9 =	simm.s32 $0x8;
	_ =	strace $0x80000047;
	s6 =	sor.u32 s7, s6  }
0xa: {  	s8 =	ssub.s32 $0x2, s5;
	s5 =	sshll.u32 s5, $0xE;
	s10 =	sadd.s32 s0, s6  }
0xb: {  	s26 =	sshrl.u32 s8, $0x1;
	s3 =	sadd.s32 s3, s6;
	[dreg:$0x5] =	wrdreg s10  }
0xc: {  	s11 =	sshll.u32 s6, $0x4;
	s12 =	sadd.s32 $0x6000, s10;
	[dreg:$0xc] =	wrdreg s3  }
0xd: {  	s8 =	ssub.s32 s8, s26;
	s13 =	sadd.s32 s2, s11;
	[dreg:$0x6] =	wrdreg s12  }
0xe: {  	s6 =	simm.s32 $0x7;
	s19 =	smax.u32 s8, $0x1;
	[dreg:$0x7] =	wrdreg s13  }
0xf: {  	s8 =	simm.s32 $0x5;
	s0 =	sadd.s32 $0x10000, s13;
	[dreg:$0xd] =	wrdreg s19  }
0x10: {  	s10 =	simm.s32 $0x9;
	s15 =	sadd.s32 $0x20000, s13;
	[dreg:$0x8] =	wrdreg s0  }
0x11: {  	s11 =	simm.s32 $0x0;
	s16 =	sadd.s32 $0x30000, s13;
	[dreg:$0x9] =	wrdreg s15  }
0x12: {  	s17 =	sadd.s32 $0x40000, s13;
	s12 =	simm.s32 $0x400;
	[dreg:$0xa] =	wrdreg s16  }
0x13: {  	s13 =	simm.s32 $0x8000;
	s0 =	sor.u32 s5, s14;
	[dreg:$0xb] =	wrdreg s17  }
0x14: {  	s14 =	simm.s32 $0xB;
	s5 =	simm.s32 $0xA;
	s18 =	sor.u32 $0x380000, s0  }
0x15: {  	s20 =	sor.u32 $0x300000, s0;
	s22 =	sor.u32 $0x480000, s0;
	s24 =	sor.u32 $0x400000, s0  }
0x16: {  	s0 =	sor.u32 $0x280000, s0;
	s3 =	sshrl.u32 s18, $0x3;
	s21 =	sshrl.u32 s20, $0x3  }
0x17: {  	s23 =	sshrl.u32 s22, $0x3;
	[dreg:$0x10] =	wrdreg s0;
	s26 =	sshrl.u32 s24, $0x3  }
0x18: {  	s24 =	simm.s32 $0x3800;
	s3 =	sadd.s32 s3, s2;
	s25 =	sadd.s32 s23, s2  }
0x19: {  	s0 =	sadd.s32 s26, s2;
	s23 =	simm.s32 $0x80;
	[dreg:$0xe] =	wrdreg s3  }
0x1a: {  	s26 =	simm.s32 $0x3;
	s3 =	sadd.s32 s21, s2;
	[dreg:$0x11] =	wrdreg s25  }
0x1b: {  	[dreg:$0x12] =	wrdreg s0;
	s25 =	simm.s32 $0x7800;
	s0 =	simm.s32 $0x2  }
0x1c: {  	v0 =	vimm.s32 $0x0;
	s21 =	simm.s32 $0x13800;
	[dreg:$0xf] =	wrdreg s3;
	s3 =	simm.s32 $0x4  }
.LBB2_1:
0x1d: {  	s7 =	rddreg [dreg:$0x5]  }
0x1e: {  	[tilespmem:s4], [sflag:$0xB] =	stream.strided.gather [hbm4b:s7+s12], $0x1800, s13, s12, $0x38;
	[tilespmem:$0x17800] =	vst v63  }
0x1f: {  	s19 =	rddreg [dreg:$0x6];
	s20 =	simm.s32 $0x1800  }
0x20: {  	[tilespmem:s20], [sflag:$0xB] =	stream.linear.gather [hbm4b:s19+s4], $0x100, $0x38;
	[tilespmem:$0x17800] =	vst v63  }
0x21: {  	_ =	swait.ge [sflag:s14], $0x1900  }
0x22: {  	[sflag:s14] =	ssyncset.done $0x0  }
0x23: {  	[sflag:s14] =	ssyncadd.s32 $0xFFFFE700  }
0x24: {  	[tilespmem:s24], [sflag:$0x1] =	stream.indirect.gather [hbm4b:s1+s23], $0x80, s4, s23, $0xb8;
	[tilespmem:$0x17800] =	vst v63  }
0x25: {  	_ = 	snop  }
0x26: {  	[tilespmem:s25], [sflag:$0x2] =	stream.indirect.gather [hbm4b:s1+s23], $0x80, s23, s23, $0xb8;
	[tilespmem:$0x17800] =	vst v63  }
0x27: {  	s22 =	simm.s32 $0x100  }
0x28: {  	[tilespmem:s28], [sflag:$0x3] =	stream.indirect.gather [hbm4b:s1+s23], $0x80, s22, s23, $0xb8;
	[tilespmem:$0x17800] =	vst v63  }
0x29: {  	_ =	swait.ge [sflag:s29], $0x4000  }
0x2a: {  	[sflag:s29] =	ssyncset.done $0x0  }
0x2b: {  	s12 =	rddreg [dreg:$0x7];
	[sflag:s29] =	ssyncadd.s32 $0xFFFFC000  }
0x2c: {  	[hbm4b:s12+s4] =	stream.linear.scatter [tilespmem:s24], [sflag:$0x6], $0x4000, $0x38;
	[tilespmem:$0x17800] =	vst v63  }
0x2d: {  	s13 =	simm.s32 $0x180  }
0x2e: {  	[tilespmem:s31], [sflag:$0x4] =	stream.indirect.gather [hbm4b:s1+s23], $0x80, s13, s23, $0xb8;
	[tilespmem:$0x17800] =	vst v63  }
0x2f: {  	_ =	swait.ge [sflag:s0], $0x4000  }
0x30: {  	[sflag:s0] =	ssyncset.done $0x0  }
0x31: {  	s14 =	rddreg [dreg:$0x8];
	[sflag:s0] =	ssyncadd.s32 $0xFFFFC000  }
0x32: {  	[hbm4b:s14+s4] =	stream.linear.scatter [tilespmem:s25], [sflag:$0x7], $0x4000, $0x38;
	[tilespmem:$0x17800] =	vst v63  }
0x33: {  	s15 =	simm.s32 $0x200  }
0x34: {  	[tilespmem:s21], [sflag:$0x5] =	stream.indirect.gather [hbm4b:s1+s23], $0x80, s15, s23, $0xb8;
	[tilespmem:$0x17800] =	vst v63  }
0x35: {  	_ =	swait.ge [sflag:s26], $0x4000  }
0x36: {  	[sflag:s26] =	ssyncset.done $0x0  }
0x37: {  	s16 =	rddreg [dreg:$0x9];
	[sflag:s26] =	ssyncadd.s32 $0xFFFFC000  }
0x38: {  	[hbm4b:s16+s4] =	stream.linear.scatter [tilespmem:s28], [sflag:$0x8], $0x4000, $0x38;
	[tilespmem:$0x17800] =	vst v63  }
0x39: {  	_ =	swait.ge [sflag:s30], $0x4000  }
0x3a: {  	[sflag:s30] =	ssyncset.done $0x0  }
0x3b: {  	s17 =	simm.s32 $0x280;
	[sflag:s30] =	ssyncadd.s32 $0xFFFFC000  }
0x3c: {  	[tilespmem:s24], [sflag:$0x1] =	stream.indirect.gather [hbm4b:s1+s23], $0x80, s17, s23, $0xb8;
	[tilespmem:$0x17800] =	vst v63  }
0x3d: {  	_ =	swait.ge [sflag:s3], $0x4000  }
0x3e: {  	[sflag:s3] =	ssyncset.done $0x0  }
0x3f: {  	s18 =	rddreg [dreg:$0xa];
	[sflag:s3] =	ssyncadd.s32 $0xFFFFC000  }
0x40: {  	[hbm4b:s18+s4] =	stream.linear.scatter [tilespmem:s31], [sflag:$0x9], $0x4000, $0x38;
	[tilespmem:$0x17800] =	vst v63  }
0x41: {  	_ =	swait.ge [sflag:s6], $0x4000  }
0x42: {  	[sflag:s6] =	ssyncset.done $0x0  }
0x43: {  	s19 =	simm.s32 $0x300;
	[sflag:s6] =	ssyncadd.s32 $0xFFFFC000  }
0x44: {  	[tilespmem:s25], [sflag:$0x2] =	stream.indirect.gather [hbm4b:s1+s23], $0x80, s19, s23, $0xb8;
	[tilespmem:$0x17800] =	vst v63  }
0x45: {  	_ =	swait.ge [sflag:s8], $0x4000  }
0x46: {  	[sflag:s8] =	ssyncset.done $0x0  }
0x47: {  	s20 =	rddreg [dreg:$0xb];
	[sflag:s8] =	ssyncadd.s32 $0xFFFFC000  }
0x48: {  	[hbm4b:s20+s4] =	stream.linear.scatter [tilespmem:s21], [sflag:$0xA], $0x4000, $0x38;
	[tilespmem:$0x17800] =	vst v63  }
0x49: {  	_ =	swait.ge [sflag:s9], $0x4000  }
0x4a: {  	s13 =	rddreg [dreg:$0x12]  }
0x4b: {  	s14 =	rddreg [dreg:$0x11]  }
0x4c: {  	s16 =	rddreg [dreg:$0x10]  }
0x4d: {  	s22 =	simm.s32 $0x380;
	[sflag:s9] =	ssyncset.done $0x0;
	s15 =	rddreg [dreg:$0xf]  }
0x4e: {  	s19 =	simm.s32 $0x0;
	s20 =	rddreg [dreg:$0xe];
	[sflag:s9] =	ssyncadd.s32 $0xFFFFC000  }
0x4f: {  	[tilespmem:s28], [sflag:$0x3] =	stream.indirect.gather [hbm4b:s1+s23], $0x80, s22, s23, $0xb8;
	[tilespmem:$0x17800] =	vst v63  }
.LBB2_2:
0x50: {  	_ =	swait.ge [sflag:s29], $0x4000  }
0x51: {  	s17 =	sshrl.u32 s16, $0x3;
	[sflag:s29] =	ssyncset.done $0x0  }
0x52: {  	s17 =	sadd.s32 s2, s17;
	[sflag:s29] =	ssyncadd.s32 $0xFFFFC000  }
0x53: {  	[hbm4b:s17+s4] =	stream.linear.scatter [tilespmem:s24], [sflag:$0x6], $0x4000, $0x38;
	[tilespmem:$0x17800] =	vst v63  }
0x54: {  	_ =	swait.ge [sflag:s10], $0x4000  }
0x55: {  	s17 =	sshra.s32 s19, $0x2;
	[sflag:s10] =	ssyncset.done $0x0  }
0x56: {  	s18 =	sadd.s32 $0x400, s17;
	[sflag:s10] =	ssyncadd.s32 $0xFFFFC000  }
0x57: {  	[tilespmem:s31], [sflag:$0x4] =	stream.indirect.gather [hbm4b:s1+s23], $0x80, s18, s23, $0xb8;
	[tilespmem:$0x17800] =	vst v63  }
0x58: {  	_ =	swait.ge [sflag:s0], $0x4000  }
0x59: {  	[sflag:s0] =	ssyncset.done $0x0  }
0x5a: {  	[sflag:s0] =	ssyncadd.s32 $0xFFFFC000  }
0x5b: {  	[hbm4b:s15+s4] =	stream.linear.scatter [tilespmem:s25], [sflag:$0x7], $0x4000, $0x38;
	[tilespmem:$0x17800] =	vst v63  }
0x5c: {  	_ =	swait.ge [sflag:s5], $0x4000  }
0x5d: {  	[sflag:s5] =	ssyncset.done $0x0  }
0x5e: {  	s12 =	sadd.s32 $0x480, s17;
	[sflag:s5] =	ssyncadd.s32 $0xFFFFC000  }
0x5f: {  	[tilespmem:s21], [sflag:$0x5] =	stream.indirect.gather [hbm4b:s1+s23], $0x80, s12, s23, $0xb8;
	[tilespmem:$0x17800] =	vst v63  }
0x60: {  	_ =	swait.ge [sflag:s26], $0x4000  }
0x61: {  	p0 =	seq.s32 s19, $0x5000;
	[sflag:s26] =	ssyncset.done $0x0  }
0x62: {  	s18 =	simm.s32 @!p0 $0x6;
	[sflag:s26] =	ssyncadd.s32 $0xFFFFC000  }
0x63: {  	[hbm4b:s20+s4] =	stream.linear.scatter [tilespmem:s28], [sflag:$0x8], $0x4000, $0x38;
	[tilespmem:$0x17800] =	vst v63  }
0x64: {  	_ =	swait.ge @!p0 [sflag:s18], $0x4000  }
0x65: {  	[sflag:s18] =	ssyncset.done @!p0 $0x0  }
0x66: {  	[sflag:s18] =	ssyncadd.s32 @!p0 $0xFFFFC000;
	s18 =	sshra.s32 @!p0 s19, $0x2  }
0x67: {  	s22 =	simm.s32 @!p0 $0x3800;
	s12 =	simm.s32 @!p0 $0x80;
	s7 =	sadd.s32 @!p0 $0x500, s18  }
0x68: {  	[tilespmem:s22], [sflag:$0x1] =	stream.indirect.gather @!p0 [hbm4b:s1+s12], $0x80, s7, s12, $0xb8;
	[tilespmem:$0x17800] =	vst v63  }
0x69: {  	_ =	swait.ge [sflag:s3], $0x4000  }
0x6a: {  	[sflag:s3] =	ssyncset.done $0x0  }
0x6b: {  	s7 =	simm.s32 @!p0 $0x7;
	[sflag:s3] =	ssyncadd.s32 $0xFFFFC000  }
0x6c: {  	[hbm4b:s13+s4] =	stream.linear.scatter [tilespmem:s31], [sflag:$0x9], $0x4000, $0x38;
	[tilespmem:$0x17800] =	vst v63  }
0x6d: {  	_ =	swait.ge @!p0 [sflag:s7], $0x4000  }
0x6e: {  	[sflag:s7] =	ssyncset.done @!p0 $0x0  }
0x6f: {  	[sflag:s7] =	ssyncadd.s32 @!p0 $0xFFFFC000;
	s7 =	sadd.s32 @!p0 $0x580, s18;
	s18 =	simm.s32 @!p0 $0x7800  }
0x70: {  	[tilespmem:s18], [sflag:$0x2] =	stream.indirect.gather @!p0 [hbm4b:s1+s12], $0x80, s7, s12, $0xb8;
	[tilespmem:$0x17800] =	vst v63  }
.Ltmp0:
0x71: {  	_ = 	snop;
	(pc) =	sbr.rel @p0 .LBB2_4-.Ltmp0, $4  }
0x72: {  	_ =	swait.ge [sflag:s8], $0x4000  }
0x73: {  	[sflag:s8] =	ssyncset.done $0x0  }
0x74: {  	s22 =	simm.s32 $0x0;
	[sflag:s8] =	ssyncadd.s32 $0xFFFFC000  }
0x75: {  	[hbm4b:s14+s22] =	stream.linear.scatter [tilespmem:s21], [sflag:$0xA], $0x4000, $0x38;
	[tilespmem:$0x17800] =	vst v63  }
.Ltmp1:
0x76: {  	_ =	swait.ge [sflag:s9], $0x4000;
	(pc) =	sbr.rel .LBB2_2-.Ltmp1, $4  }
0x77: {  	s7 =	sadd.s32 $0x600, s17;
	s19 =	sadd.s32 $0xA00, s19;
	s20 =	sadd.s32 $0x50000, s20  }
0x78: {  	s15 =	sadd.s32 $0x50000, s15;
	s16 =	sadd.s32 $0x280000, s16;
	[sflag:s9] =	ssyncset.done $0x0  }
0x79: {  	s14 =	sadd.s32 $0x50000, s14;
	s13 =	sadd.s32 $0x50000, s13;
	[sflag:s9] =	ssyncadd.s32 $0xFFFFC000  }
0x7a: {  	[tilespmem:s28], [sflag:$0x3] =	stream.indirect.gather [hbm4b:s1+s23], $0x80, s7, s23, $0xb8;
	[tilespmem:$0x17800] =	vst v63  }
.LBB2_4:
0x7b: {  	s14 =	simm.s32 $0x0  }
0x7c: {  	v1 =	vld [tilespmem:s14+$0x70]  }
0x7d: {  	v3 =	vld [tilespmem:s14+$0x0]  }
0x7e: {  	v6 =	vld [tilespmem:s14+$0x10]  }
0x7f: {  	v5 =	vld [tilespmem:s14+$0x20]  }
0x80: {  	v4 =	vld [tilespmem:s14+$0x30]  }
0x81: {  	v2 =	vld [tilespmem:s14+$0x40];
	vm0 =	vne.s32 v1, $0x0  }
0x82: {  	v1 =	vld [tilespmem:s14+$0x50];
	vm1 =	vne.s32 v3, $0x0;
	v7 =	vsel vm0, $0x1, v0  }
0x83: {  	s13 =	simm.s32 $0x80;
	s15 =	simm.s32 $0x400;
	s12 =	simm.s32 $0x400;
	v3 =	vld [tilespmem:s14+$0x60];
	vm0 =	vne.s32 v6, $0x0;
	v6 =	vsel vm1, $0x1, v0;
	[tilespmem:s14+$0x1C70] =	vst v7  }
.LBB2_5:
0x84: {  	p0 =	sne.s32 s15, $0x6200;
	v7 =	vld [tilespmem:s13+$0x70];
	[tilespmem:s14+$0x1C00] =	vst v6;
	v6 =	vsel vm0, $0x1, v0;
	vm0 =	vne.s32 v5, $0x0  }
0x85: {  	v8 =	vld [tilespmem:s13+$0x0];
	[tilespmem:s14+$0x1C10] =	vst v6;
	v5 =	vsel vm0, $0x1, v0;
	vm0 =	vne.s32 v4, $0x0  }
0x86: {  	v9 =	vld [tilespmem:s13+$0x10];
	[tilespmem:s14+$0x1C20] =	vst v5;
	v4 =	vsel vm0, $0x1, v0;
	vm0 =	vne.s32 v2, $0x0  }
.Ltmp2:
0x87: {  	v5 =	vld [tilespmem:s13+$0x20];
	[tilespmem:s14+$0x1C30] =	vst v4;
	v2 =	vsel vm0, $0x1, v0;
	vm0 =	vne.s32 v1, $0x0;
	(pc) =	sbr.rel @p0 .LBB2_5-.Ltmp2, $4  }
0x88: {  	v4 =	vld [tilespmem:s13+$0x30];
	[tilespmem:s14+$0x1C40] =	vst v2;
	v1 =	vsel vm0, $0x1, v0;
	vm0 =	vne.s32 v3, $0x0  }
0x89: {  	v2 =	vld [tilespmem:s13+$0x40];
	vm1 =	vne.s32 v7, $0x0;
	[tilespmem:s14+$0x1C50] =	vst v1;
	v3 =	vsel vm0, $0x1, v0  }
0x8a: {  	vm0 =	vne.s32 v8, $0x0;
	v1 =	vld [tilespmem:s13+$0x50];
	v7 =	vsel vm1, $0x1, v0;
	[tilespmem:s14+$0x1C60] =	vst v3;
	s14 =	smov.u32 s13  }
0x8b: {  	s13 =	sshra.s32 s15, $0x2;
	s15 =	sadd.s32 $0x200, s15;
	v6 =	vsel vm0, $0x1, v0;
	vm0 =	vne.s32 v9, $0x0;
	v3 =	vld [tilespmem:s14+$0x60];
	[tilespmem:s14+$0x1C70] =	vst v7  }
0x8c: {  	v7 =	vld [tilespmem:s13+$0x70];
	[tilespmem:s14+$0x1C00] =	vst v6;
	v61 =	vsel vm0, $0x1, v0;
	vm4 =	vne.s32 v5, $0x0  }
0x8d: {  	v8 =	vld [tilespmem:s13+$0x0];
	[tilespmem:s14+$0x1C10] =	vst v61;
	v5 =	vsel vm4, $0x1, v0;
	vm5 =	vne.s32 v4, $0x0  }
0x8e: {  	v6 =	vld [tilespmem:s13+$0x10];
	[tilespmem:s14+$0x1C20] =	vst v5;
	v4 =	vsel vm5, $0x1, v0;
	vm6 =	vne.s32 v2, $0x0  }
0x8f: {  	v5 =	vld [tilespmem:s13+$0x20];
	[tilespmem:s14+$0x1C30] =	vst v4;
	v2 =	vsel vm6, $0x1, v0;
	vm7 =	vne.s32 v1, $0x0  }
0x90: {  	v4 =	vld [tilespmem:s13+$0x30];
	[tilespmem:s14+$0x1C40] =	vst v2;
	v1 =	vsel vm7, $0x1, v0;
	vm8 =	vne.s32 v3, $0x0  }
0x91: {  	v2 =	vld [tilespmem:s13+$0x40];
	[tilespmem:s14+$0x1C50] =	vst v1;
	v1 =	vsel vm8, $0x1, v0;
	vm9 =	vne.s32 v7, $0x0  }
0x92: {  	v3 =	vld [tilespmem:s13+$0x50];
	[tilespmem:s14+$0x1C60] =	vst v1;
	vm1 =	vne.s32 v8, $0x0;
	v1 =	vsel vm9, $0x1, v0  }
0x93: {  	v62 =	vld [tilespmem:s13+$0x60];
	vm10 =	vne.s32 v6, $0x0;
	v63 =	vsel vm1, $0x1, v0;
	[tilespmem:s13+$0x1C70] =	vst v1  }
0x94: {  	[tilespmem:s13+$0x1C00] =	vst v63;
	v1 =	vsel vm10, $0x1, v0;
	vm11 =	vne.s32 v5, $0x0  }
0x95: {  	[tilespmem:s13+$0x1C10] =	vst v1;
	v1 =	vsel vm11, $0x1, v0;
	vm12 =	vne.s32 v4, $0x0  }
0x96: {  	[tilespmem:s13+$0x1C20] =	vst v1;
	v1 =	vsel vm12, $0x1, v0;
	vm13 =	vne.s32 v2, $0x0  }
0x97: {  	[tilespmem:s13+$0x1C30] =	vst v1;
	v1 =	vsel vm13, $0x1, v0;
	vm14 =	vne.s32 v3, $0x0  }
0x98: {  	[tilespmem:s13+$0x1C40] =	vst v1;
	v1 =	vsel vm14, $0x1, v0;
	vm15 =	vne.s32 v62, $0x0  }
0x99: {  	[tilespmem:s13+$0x1C50] =	vst v1;
	v1 =	vsel vm15, $0x1, v0  }
0x9a: {  	s7 =	rddreg [dreg:$0xc];
	s19 =	simm.s32 $0x1C00;
	[tilespmem:s13+$0x1C60] =	vst v1;
	s13 =	simm.s32 $0x8000  }
0x9b: {  	[hbm4b:s7+s12] =	stream.strided.scatter [tilespmem:s19], [sflag:$0xB], $0x1800, s13, s12, $0x38;
	[tilespmem:$0x17800] =	vst v63  }
0x9c: {  	s20 =	simm.s32 $0x3400;
	s14 =	simm.s32 $0xB;
	s7 =	sadd.s32 $0x6000, s7  }
0x9d: {  	[hbm4b:s7+s4] =	stream.linear.scatter [tilespmem:s20], [sflag:$0xB], $0x100, $0x38;
	[tilespmem:$0x17800] =	vst v63  }
0x9e: {  	_ =	swait.ge [sflag:s14], $0x1900  }
0x9f: {  	[sflag:s14] =	ssyncset.done $0x0  }
0xa0: {  	[sflag:s14] =	ssyncadd.s32 $0xFFFFE700  }
0xa1: {  	_ =	swait.ge [sflag:s30], $0x4000  }
0xa2: {  	[sflag:s30] =	ssyncset.done $0x0  }
0xa3: {  	[sflag:s30] =	ssyncadd.s32 $0xFFFFC000  }
0xa4: {  	_ =	swait.ge [sflag:s6], $0x4000  }
0xa5: {  	[sflag:s6] =	ssyncset.done $0x0  }
0xa6: {  	[sflag:s6] =	ssyncadd.s32 $0xFFFFC000  }
0xa7: {  	_ =	swait.ge [sflag:s9], $0x4000  }
0xa8: {  	[sflag:s9] =	ssyncset.done $0x0  }
0xa9: {  	[sflag:s9] =	ssyncadd.s32 $0xFFFFC000  }
0xaa: {  	_ =	swait.ge [sflag:s10], $0x4000  }
0xab: {  	[sflag:s10] =	ssyncset.done $0x0  }
0xac: {  	[sflag:s10] =	ssyncadd.s32 $0xFFFFC000  }
0xad: {  	_ =	swait.ge [sflag:s5], $0x4000  }
0xae: {  	s11 =	sadd.s32 $0x1, s11;
	s22 =	rddreg [dreg:$0xd]  }
0xaf: {  	p0 =	sne.s32 s11, s22  }
.Ltmp3:
0xb0: {  	_ = 	snop;
	(pc) =	sbr.rel @p0 .LBB2_1-.Ltmp3, $3  }
0xb1: {  	_ =	sdelay $0x1  }
0xb2: {  	[sflag:s5] =	ssyncset.done $0x0  }
0xb3: {  	[sflag:s5] =	ssyncadd.s32 $0xFFFFC000  }
0xb4: {  	_ =	sfence.sel $0x180000  }
0xb5: {  	[bflag:$0x0] =	sbarrier.arrive $0xFFFF  }
0xb6: {  	_ =	strace $0x90000047  }
0xb7: {  	s0 =	stileid.u32;
	[bflag:$0x2] =	sbarrier.arrive $0xFFFF  }
0xb8: {  	p0 =	sne.s32 s0, $0x0;
	s0 =	rddreg [dreg:$0x4]  }
0xb9: {  	s0 =	sadd.s32 @!p0 $0x100000, s0  }
0xba: {  	[sflag:s0] =	ssyncadd.tile.s32 @!p0 $0x1;
	_ =	shalt  }
.Lfunc_end2:
_tile_overlayer_lowered:
.L_overlay_start_2:
0xbb: {  	(tag) =	ssettag $0x2  }
0xbc: {  	s0 =	rddreg [dreg:$0x0];
	s2 =	stileid.u32  }
0xbd: {  	s1 =	rddreg [dreg:$0x1];
	p0 =	sne.s32 s2, $0x0  }
0xbe: {  	s3 =	rddreg [dreg:$0x2];
	[bflag:$0x3] =	sbarrier.arrive $0xFFFF;
	s2 =	simm.s32 @!p0 $0x1C0B  }
0xbf: {  	[timem:s3], [sflag:s2] =	dma.local @!p0 [hbm:s0], s1  }
0xc0: {  	s0 =	simm.s32 @!p0 $0xB  }
0xc1: {  	_ =	swait.ge @!p0 [sflag:s0], s1  }
0xc2: {  	s1 =	ssub.s32 @!p0 $0x0, s1;
	[sflag:s0] =	ssyncset.done @!p0 $0x0  }
0xc3: {  	[sflag:s0] =	ssyncadd.s32 @!p0 s1  }
0xc4: {  	[bflag:$0x3] =	sbarrier.arrive $0xFFFF  }
0xc5: {  	_ =	shalt  }

</sc_bundles>
